<compile_context>
chip_gen: v7x
topology: tpu7x:2x2x1
jax: 0.10.2.dev20260603
libtpu: 0.0.44.dev20260713+nightly
codegen_flags: <defaults>
</compile_context>

<pallas_src>
import functools

import jax
import jax.numpy as jnp
from jax import lax
from jax.experimental import pallas as pl
from jax.experimental.pallas import tpu as pltpu
from jax.experimental.pallas import tpu_sc as plsc

VOCAB = 100000
DEPTH = 64
LINE = 2 * DEPTH
B_TOTAL = 4096 * 200
CHUNK = 128
N_CHUNKS = B_TOTAL // CHUNK
NC, NS = 2, 16
NW = NC * NS
CPW = N_CHUNKS // NW
NBUF = 5
GROUPS = CPW // NBUF


def _make_gather():
    mesh = plsc.VectorSubcoreMesh(core_axis_name="c", subcore_axis_name="s")

    @functools.partial(
        pl.kernel,
        mesh=mesh,
        out_type=jax.ShapeDtypeStruct((B_TOTAL, LINE), jnp.float32),
        scratch_types=[
            pltpu.VMEM((CPW, CHUNK), jnp.int32),
            [pltpu.VMEM((CHUNK, LINE), jnp.float32) for _ in range(NBUF)],
            [pltpu.SemaphoreType.DMA for _ in range(NBUF)],
            [pltpu.SemaphoreType.DMA for _ in range(NBUF)],
        ],
        compiler_params=pltpu.CompilerParams(use_tc_tiling_on_sc=True),
    )
    def gather_kernel(table_hbm, idx_hbm, out_hbm, idx_v, rows, gsem, ssem):
        wid = lax.axis_index("s") * NC + lax.axis_index("c")
        base = wid * CPW
        pltpu.sync_copy(idx_hbm.at[pl.ds(base, CPW)], idx_v)

        def gather(j, b):
            pltpu.make_async_copy(
                table_hbm.at[idx_v.at[j]], rows[b], gsem[b]
            ).start()

        def gather_wait(b):
            pltpu.make_async_copy(
                table_hbm.at[idx_v.at[0]], rows[b], gsem[b]
            ).wait()

        def store(j, b):
            pltpu.make_async_copy(
                rows[b], out_hbm.at[pl.ds((base + j) * CHUNK, CHUNK)], ssem[b]
            ).start()

        def store_wait(b):
            pltpu.make_async_copy(
                rows[b], out_hbm.at[pl.ds(0, CHUNK)], ssem[b]
            ).wait()

        for b in range(NBUF):
            gather(b, b)

        def group(g, carry):
            for b in range(NBUF):
                gather_wait(b)
                store(g * NBUF + b, b)
            for b in range(NBUF):
                store_wait(b)
                gather((g + 1) * NBUF + b, b)
            return carry

        lax.fori_loop(0, GROUPS - 1, group, 0)

        for b in range(NBUF):
            gather_wait(b)
            store((GROUPS - 1) * NBUF + b, b)
        for b in range(NBUF):
            store_wait(b)

    return gather_kernel


_gather = _make_gather()


@jax.jit
def kernel(x, embeddings):
    t4 = jnp.concatenate([embeddings, embeddings], axis=1)
    idx = x.reshape(N_CHUNKS, CHUNK)
    lines = _gather(t4, idx)
    return lines[:, :DEPTH].reshape(x.shape[0], x.shape[1], DEPTH)

# --- scband reference (transcript-rebuilt; emitter-appended) ---
"""Pipeline reference for scband-sinusoidal-35081292874337 (READ-ONLY COPY).

The authoritative reference and input builder live on the scoring server;
editing this copy changes nothing except your own understanding.
"""

import jax, jax.numpy as jnp
import numpy as np

VOCAB_SIZE = 100000
DEPTH = 64

def _make_sinusoidal_table(vocab_size, depth):
    pos = jnp.arange(vocab_size, dtype=jnp.float32)[:, None]
    i = jnp.arange(depth // 2, dtype=jnp.float32)[None, :]
    theta = pos / jnp.power(10000.0, 2.0 * i / depth)
    emb = jnp.zeros((vocab_size, depth), dtype=jnp.float32)
    emb = emb.at[:, 0::2].set(jnp.sin(theta))
    emb = emb.at[:, 1::2].set(jnp.cos(theta))
    return emb

def setup_inputs(seed: int = 0):
    key = jax.random.key(seed)
    x = jax.random.randint(key, (4096, 200), 0, VOCAB_SIZE, dtype=jnp.int32)
    embeddings = _make_sinusoidal_table(VOCAB_SIZE, DEPTH)
    return {"x": x, "embeddings": embeddings}

def reference(x, embeddings):
    # Faithful translation of Sinusoidal.forward: table gather by index.
    return jnp.take(embeddings, x, axis=0)

if __name__ == "__main__":
    import jax
    _d = setup_inputs()
    print(jax.jit(kernel)(*tuple(_d.values())))

</pallas_src>

<mosaic_0001>
#map = affine_map<(d0, d1) -> (0, 0)>
module attributes {stable_mosaic.version = 14 : i64} {
  func.func @gather_kernel(%arg0: i32, %arg1: i32, %arg2: memref<100000x128xf32, #tpu.memory_space<hbm>>, %arg3: memref<6400x128xi32, #tpu.memory_space<hbm>>, %arg4: memref<819200x128xf32, #tpu.memory_space<hbm>>, %arg5: memref<200x128xi32, #tpu.memory_space<vmem>>, %arg6: memref<128x128xf32, #tpu.memory_space<vmem>>, %arg7: memref<128x128xf32, #tpu.memory_space<vmem>>, %arg8: memref<128x128xf32, #tpu.memory_space<vmem>>, %arg9: memref<128x128xf32, #tpu.memory_space<vmem>>, %arg10: memref<128x128xf32, #tpu.memory_space<vmem>>, %arg11: memref<!tpu.dma_semaphore, #tpu.memory_space<semaphore_mem>>, %arg12: memref<!tpu.dma_semaphore, #tpu.memory_space<semaphore_mem>>, %arg13: memref<!tpu.dma_semaphore, #tpu.memory_space<semaphore_mem>>, %arg14: memref<!tpu.dma_semaphore, #tpu.memory_space<semaphore_mem>>, %arg15: memref<!tpu.dma_semaphore, #tpu.memory_space<semaphore_mem>>, %arg16: memref<!tpu.dma_semaphore, #tpu.memory_space<semaphore_mem>>, %arg17: memref<!tpu.dma_semaphore, #tpu.memory_space<semaphore_mem>>, %arg18: memref<!tpu.dma_semaphore, #tpu.memory_space<semaphore_mem>>, %arg19: memref<!tpu.dma_semaphore, #tpu.memory_space<semaphore_mem>>, %arg20: memref<!tpu.dma_semaphore, #tpu.memory_space<semaphore_mem>>) attributes {dimension_semantics = [#tpu.dimension_semantics<core_parallel>, #tpu.dimension_semantics<subcore_parallel>], iteration_bounds = array<i64: 2, 16>, scalar_prefetch = 0 : i64, scratch_operands = 16 : i64, tpu.core_type = #tpu.core_type<sc_vector_subcore>, window_params = [{transform_indices = #map}, {transform_indices = #map}, {transform_indices = #map}]} {
    %mul3A = arith.constant 2 : i32
    %mul3A_0 = arith.muli %arg1, %mul3A : i32
    %add3A = arith.addi %mul3A_0, %arg0 : i32
    %mul3A_1 = arith.constant 200 : i32
    %mul3A_2 = arith.muli %add3A, %mul3A_1 : i32
    "tpu.region"() ({
      %run_scoped3A = tpu.sem_alloc : memref<!tpu.dma_semaphore, #tpu.memory_space<semaphore_mem>>
      %dma_start3A_146 = arith.constant 0 : i32
      %dma_start3A_147 = tpu.memref_slice %arg3[%mul3A_2, %dma_start3A_146] : memref<6400x128xi32, #tpu.memory_space<hbm>> -> memref<200x128xi32, #tpu.memory_space<hbm>>
      %dma_start3A_148 = arith.constant 0 : i32
      %dma_start3A_149 = tpu.memref_slice %arg3[%mul3A_2, %dma_start3A_148] : memref<6400x128xi32, #tpu.memory_space<hbm>> -> memref<200x128xi32, #tpu.memory_space<hbm>>
      tpu.enqueue_dma source(%dma_start3A_149 : memref<200x128xi32, #tpu.memory_space<hbm>>) target(%arg5 : memref<200x128xi32, #tpu.memory_space<vmem>>) target_semaphore(%run_scoped3A : memref<!tpu.dma_semaphore, #tpu.memory_space<semaphore_mem>>)
      %dma_wait3A_150 = arith.constant 0 : i32
      %dma_wait3A_151 = tpu.memref_slice %arg3[%mul3A_2, %dma_wait3A_150] : memref<6400x128xi32, #tpu.memory_space<hbm>> -> memref<200x128xi32, #tpu.memory_space<hbm>>
      %dma_wait3A_152 = arith.constant 0 : i32
      %dma_wait3A_153 = tpu.memref_slice %arg3[%mul3A_2, %dma_wait3A_152] : memref<6400x128xi32, #tpu.memory_space<hbm>> -> memref<200x128xi32, #tpu.memory_space<hbm>>
      tpu.wait_dma2 semaphore(%run_scoped3A : memref<!tpu.dma_semaphore, #tpu.memory_space<semaphore_mem>>) src(%dma_wait3A_153 : memref<200x128xi32, #tpu.memory_space<hbm>>) dst(%arg5 : memref<200x128xi32, #tpu.memory_space<vmem>>)
      tpu.yield
    }) : () -> ()
    %dma_start3A = arith.constant 0 : i32
    %dma_start3A_3 = arith.constant 0 : i32
    %dma_start3A_4 = tpu.memref_slice %arg5[%dma_start3A, %dma_start3A_3] : memref<200x128xi32, #tpu.memory_space<vmem>> -> memref<1x128xi32, #tpu.memory_space<vmem>>
    %dma_start3A_5 = tpu.memref_squeeze %dma_start3A_4 : memref<1x128xi32, #tpu.memory_space<vmem>> -> memref<128xi32, #tpu.memory_space<vmem>>
    %dma_start3A_6 = arith.constant 0 : i32
    %dma_start3A_7 = arith.constant 0 : i32
    %dma_start3A_8 = tpu.memref_slice %arg2[%dma_start3A_6, %dma_start3A_7] : memref<100000x128xf32, #tpu.memory_space<hbm>> -> memref<100000x128xf32, #tpu.memory_space<hbm>>
    tpu.enqueue_indirect_dma source(%dma_start3A_8 : memref<100000x128xf32, #tpu.memory_space<hbm>>) target(%arg6 : memref<128x128xf32, #tpu.memory_space<vmem>>) offsets(%dma_start3A_5 : memref<128xi32, #tpu.memory_space<vmem>>) semaphore(%arg11 : memref<!tpu.dma_semaphore, #tpu.memory_space<semaphore_mem>>)
    %dma_start3A_9 = arith.constant 1 : i32
    %dma_start3A_10 = arith.constant 0 : i32
    %dma_start3A_11 = tpu.memref_slice %arg5[%dma_start3A_9, %dma_start3A_10] : memref<200x128xi32, #tpu.memory_space<vmem>> -> memref<1x128xi32, #tpu.memory_space<vmem>>
    %dma_start3A_12 = tpu.memref_squeeze %dma_start3A_11 : memref<1x128xi32, #tpu.memory_space<vmem>> -> memref<128xi32, #tpu.memory_space<vmem>>
    %dma_start3A_13 = arith.constant 0 : i32
    %dma_start3A_14 = arith.constant 0 : i32
    %dma_start3A_15 = tpu.memref_slice %arg2[%dma_start3A_13, %dma_start3A_14] : memref<100000x128xf32, #tpu.memory_space<hbm>> -> memref<100000x128xf32, #tpu.memory_space<hbm>>
    tpu.enqueue_indirect_dma source(%dma_start3A_15 : memref<100000x128xf32, #tpu.memory_space<hbm>>) target(%arg7 : memref<128x128xf32, #tpu.memory_space<vmem>>) offsets(%dma_start3A_12 : memref<128xi32, #tpu.memory_space<vmem>>) semaphore(%arg12 : memref<!tpu.dma_semaphore, #tpu.memory_space<semaphore_mem>>)
    %dma_start3A_16 = arith.constant 2 : i32
    %dma_start3A_17 = arith.constant 0 : i32
    %dma_start3A_18 = tpu.memref_slice %arg5[%dma_start3A_16, %dma_start3A_17] : memref<200x128xi32, #tpu.memory_space<vmem>> -> memref<1x128xi32, #tpu.memory_space<vmem>>
    %dma_start3A_19 = tpu.memref_squeeze %dma_start3A_18 : memref<1x128xi32, #tpu.memory_space<vmem>> -> memref<128xi32, #tpu.memory_space<vmem>>
    %dma_start3A_20 = arith.constant 0 : i32
    %dma_start3A_21 = arith.constant 0 : i32
    %dma_start3A_22 = tpu.memref_slice %arg2[%dma_start3A_20, %dma_start3A_21] : memref<100000x128xf32, #tpu.memory_space<hbm>> -> memref<100000x128xf32, #tpu.memory_space<hbm>>
    tpu.enqueue_indirect_dma source(%dma_start3A_22 : memref<100000x128xf32, #tpu.memory_space<hbm>>) target(%arg8 : memref<128x128xf32, #tpu.memory_space<vmem>>) offsets(%dma_start3A_19 : memref<128xi32, #tpu.memory_space<vmem>>) semaphore(%arg13 : memref<!tpu.dma_semaphore, #tpu.memory_space<semaphore_mem>>)
    %dma_start3A_23 = arith.constant 3 : i32
    %dma_start3A_24 = arith.constant 0 : i32
    %dma_start3A_25 = tpu.memref_slice %arg5[%dma_start3A_23, %dma_start3A_24] : memref<200x128xi32, #tpu.memory_space<vmem>> -> memref<1x128xi32, #tpu.memory_space<vmem>>
    %dma_start3A_26 = tpu.memref_squeeze %dma_start3A_25 : memref<1x128xi32, #tpu.memory_space<vmem>> -> memref<128xi32, #tpu.memory_space<vmem>>
    %dma_start3A_27 = arith.constant 0 : i32
    %dma_start3A_28 = arith.constant 0 : i32
    %dma_start3A_29 = tpu.memref_slice %arg2[%dma_start3A_27, %dma_start3A_28] : memref<100000x128xf32, #tpu.memory_space<hbm>> -> memref<100000x128xf32, #tpu.memory_space<hbm>>
    tpu.enqueue_indirect_dma source(%dma_start3A_29 : memref<100000x128xf32, #tpu.memory_space<hbm>>) target(%arg9 : memref<128x128xf32, #tpu.memory_space<vmem>>) offsets(%dma_start3A_26 : memref<128xi32, #tpu.memory_space<vmem>>) semaphore(%arg14 : memref<!tpu.dma_semaphore, #tpu.memory_space<semaphore_mem>>)
    %dma_start3A_30 = arith.constant 4 : i32
    %dma_start3A_31 = arith.constant 0 : i32
    %dma_start3A_32 = tpu.memref_slice %arg5[%dma_start3A_30, %dma_start3A_31] : memref<200x128xi32, #tpu.memory_space<vmem>> -> memref<1x128xi32, #tpu.memory_space<vmem>>
    %dma_start3A_33 = tpu.memref_squeeze %dma_start3A_32 : memref<1x128xi32, #tpu.memory_space<vmem>> -> memref<128xi32, #tpu.memory_space<vmem>>
    %dma_start3A_34 = arith.constant 0 : i32
    %dma_start3A_35 = arith.constant 0 : i32
    %dma_start3A_36 = tpu.memref_slice %arg2[%dma_start3A_34, %dma_start3A_35] : memref<100000x128xf32, #tpu.memory_space<hbm>> -> memref<100000x128xf32, #tpu.memory_space<hbm>>
    tpu.enqueue_indirect_dma source(%dma_start3A_36 : memref<100000x128xf32, #tpu.memory_space<hbm>>) target(%arg10 : memref<128x128xf32, #tpu.memory_space<vmem>>) offsets(%dma_start3A_33 : memref<128xi32, #tpu.memory_space<vmem>>) semaphore(%arg15 : memref<!tpu.dma_semaphore, #tpu.memory_space<semaphore_mem>>)
    %scan3A = arith.constant 0 : i32
    %scan3A_37 = arith.constant 0 : i32
    %scan3A_38 = arith.constant 39 : i32
    %scan3A_39 = arith.addi %scan3A_37, %scan3A_38 : i32
    %scan3A_40 = arith.constant 1 : i32
    scf.for %scan3A_146 = %scan3A_37 to %scan3A_39 step %scan3A_40  : i32 {
      %dma_wait3A_147 = arith.constant 0 : i32
      %dma_wait3A_148 = arith.constant 0 : i32
      %dma_wait3A_149 = tpu.memref_slice %arg5[%dma_wait3A_147, %dma_wait3A_148] : memref<200x128xi32, #tpu.memory_space<vmem>> -> memref<1x128xi32, #tpu.memory_space<vmem>>
      %dma_wait3A_150 = tpu.memref_squeeze %dma_wait3A_149 : memref<1x128xi32, #tpu.memory_space<vmem>> -> memref<128xi32, #tpu.memory_space<vmem>>
      %dma_wait3A_151 = arith.constant 0 : i32
      %dma_wait3A_152 = arith.constant 0 : i32
      %dma_wait3A_153 = tpu.memref_slice %arg2[%dma_wait3A_151, %dma_wait3A_152] : memref<100000x128xf32, #tpu.memory_space<hbm>> -> memref<100000x128xf32, #tpu.memory_space<hbm>>
      tpu.wait_indirect_dma semaphore(%arg11 : memref<!tpu.dma_semaphore, #tpu.memory_space<semaphore_mem>>) src(%dma_wait3A_153 : memref<100000x128xf32, #tpu.memory_space<hbm>>) dst(%arg6 : memref<128x128xf32, #tpu.memory_space<vmem>>)
      %mul3A_154 = arith.constant 5 : i32
      %mul3A_155 = arith.muli %scan3A_146, %mul3A_154 : i32
      %add3A_156 = arith.constant 0 : i32
      %add3A_157 = arith.addi %mul3A_155, %add3A_156 : i32
      %add3A_158 = arith.addi %mul3A_2, %add3A_157 : i32
      %mul3A_159 = arith.constant 128 : i32
      %mul3A_160 = arith.muli %add3A_158, %mul3A_159 : i32
      %dma_start3A_161 = arith.constant 0 : i32
      %dma_start3A_162 = tpu.memref_slice %arg4[%mul3A_160, %dma_start3A_161] : memref<819200x128xf32, #tpu.memory_space<hbm>> -> memref<128x128xf32, #tpu.memory_space<hbm>>
      %dma_start3A_163 = arith.constant 0 : i32
      %dma_start3A_164 = tpu.memref_slice %arg4[%mul3A_160, %dma_start3A_163] : memref<819200x128xf32, #tpu.memory_space<hbm>> -> memref<128x128xf32, #tpu.memory_space<hbm>>
      tpu.enqueue_dma source(%arg6 : memref<128x128xf32, #tpu.memory_space<vmem>>) target(%dma_start3A_164 : memref<128x128xf32, #tpu.memory_space<hbm>>) target_semaphore(%arg16 : memref<!tpu.dma_semaphore, #tpu.memory_space<semaphore_mem>>)
      %dma_wait3A_165 = arith.constant 0 : i32
      %dma_wait3A_166 = arith.constant 0 : i32
      %dma_wait3A_167 = tpu.memref_slice %arg5[%dma_wait3A_165, %dma_wait3A_166] : memref<200x128xi32, #tpu.memory_space<vmem>> -> memref<1x128xi32, #tpu.memory_space<vmem>>
      %dma_wait3A_168 = tpu.memref_squeeze %dma_wait3A_167 : memref<1x128xi32, #tpu.memory_space<vmem>> -> memref<128xi32, #tpu.memory_space<vmem>>
      %dma_wait3A_169 = arith.constant 0 : i32
      %dma_wait3A_170 = arith.constant 0 : i32
      %dma_wait3A_171 = tpu.memref_slice %arg2[%dma_wait3A_169, %dma_wait3A_170] : memref<100000x128xf32, #tpu.memory_space<hbm>> -> memref<100000x128xf32, #tpu.memory_space<hbm>>
      tpu.wait_indirect_dma semaphore(%arg12 : memref<!tpu.dma_semaphore, #tpu.memory_space<semaphore_mem>>) src(%dma_wait3A_171 : memref<100000x128xf32, #tpu.memory_space<hbm>>) dst(%arg7 : memref<128x128xf32, #tpu.memory_space<vmem>>)
      %mul3A_172 = arith.constant 5 : i32
      %mul3A_173 = arith.muli %scan3A_146, %mul3A_172 : i32
      %add3A_174 = arith.constant 1 : i32
      %add3A_175 = arith.addi %mul3A_173, %add3A_174 : i32
      %add3A_176 = arith.addi %mul3A_2, %add3A_175 : i32
      %mul3A_177 = arith.constant 128 : i32
      %mul3A_178 = arith.muli %add3A_176, %mul3A_177 : i32
      %dma_start3A_179 = arith.constant 0 : i32
      %dma_start3A_180 = tpu.memref_slice %arg4[%mul3A_178, %dma_start3A_179] : memref<819200x128xf32, #tpu.memory_space<hbm>> -> memref<128x128xf32, #tpu.memory_space<hbm>>
      %dma_start3A_181 = arith.constant 0 : i32
      %dma_start3A_182 = tpu.memref_slice %arg4[%mul3A_178, %dma_start3A_181] : memref<819200x128xf32, #tpu.memory_space<hbm>> -> memref<128x128xf32, #tpu.memory_space<hbm>>
      tpu.enqueue_dma source(%arg7 : memref<128x128xf32, #tpu.memory_space<vmem>>) target(%dma_start3A_182 : memref<128x128xf32, #tpu.memory_space<hbm>>) target_semaphore(%arg17 : memref<!tpu.dma_semaphore, #tpu.memory_space<semaphore_mem>>)
      %dma_wait3A_183 = arith.constant 0 : i32
      %dma_wait3A_184 = arith.constant 0 : i32
      %dma_wait3A_185 = tpu.memref_slice %arg5[%dma_wait3A_183, %dma_wait3A_184] : memref<200x128xi32, #tpu.memory_space<vmem>> -> memref<1x128xi32, #tpu.memory_space<vmem>>
      %dma_wait3A_186 = tpu.memref_squeeze %dma_wait3A_185 : memref<1x128xi32, #tpu.memory_space<vmem>> -> memref<128xi32, #tpu.memory_space<vmem>>
      %dma_wait3A_187 = arith.constant 0 : i32
      %dma_wait3A_188 = arith.constant 0 : i32
      %dma_wait3A_189 = tpu.memref_slice %arg2[%dma_wait3A_187, %dma_wait3A_188] : memref<100000x128xf32, #tpu.memory_space<hbm>> -> memref<100000x128xf32, #tpu.memory_space<hbm>>
      tpu.wait_indirect_dma semaphore(%arg13 : memref<!tpu.dma_semaphore, #tpu.memory_space<semaphore_mem>>) src(%dma_wait3A_189 : memref<100000x128xf32, #tpu.memory_space<hbm>>) dst(%arg8 : memref<128x128xf32, #tpu.memory_space<vmem>>)
      %mul3A_190 = arith.constant 5 : i32
      %mul3A_191 = arith.muli %scan3A_146, %mul3A_190 : i32
      %add3A_192 = arith.constant 2 : i32
      %add3A_193 = arith.addi %mul3A_191, %add3A_192 : i32
      %add3A_194 = arith.addi %mul3A_2, %add3A_193 : i32
      %mul3A_195 = arith.constant 128 : i32
      %mul3A_196 = arith.muli %add3A_194, %mul3A_195 : i32
      %dma_start3A_197 = arith.constant 0 : i32
      %dma_start3A_198 = tpu.memref_slice %arg4[%mul3A_196, %dma_start3A_197] : memref<819200x128xf32, #tpu.memory_space<hbm>> -> memref<128x128xf32, #tpu.memory_space<hbm>>
      %dma_start3A_199 = arith.constant 0 : i32
      %dma_start3A_200 = tpu.memref_slice %arg4[%mul3A_196, %dma_start3A_199] : memref<819200x128xf32, #tpu.memory_space<hbm>> -> memref<128x128xf32, #tpu.memory_space<hbm>>
      tpu.enqueue_dma source(%arg8 : memref<128x128xf32, #tpu.memory_space<vmem>>) target(%dma_start3A_200 : memref<128x128xf32, #tpu.memory_space<hbm>>) target_semaphore(%arg18 : memref<!tpu.dma_semaphore, #tpu.memory_space<semaphore_mem>>)
      %dma_wait3A_201 = arith.constant 0 : i32
      %dma_wait3A_202 = arith.constant 0 : i32
      %dma_wait3A_203 = tpu.memref_slice %arg5[%dma_wait3A_201, %dma_wait3A_202] : memref<200x128xi32, #tpu.memory_space<vmem>> -> memref<1x128xi32, #tpu.memory_space<vmem>>
      %dma_wait3A_204 = tpu.memref_squeeze %dma_wait3A_203 : memref<1x128xi32, #tpu.memory_space<vmem>> -> memref<128xi32, #tpu.memory_space<vmem>>
      %dma_wait3A_205 = arith.constant 0 : i32
      %dma_wait3A_206 = arith.constant 0 : i32
      %dma_wait3A_207 = tpu.memref_slice %arg2[%dma_wait3A_205, %dma_wait3A_206] : memref<100000x128xf32, #tpu.memory_space<hbm>> -> memref<100000x128xf32, #tpu.memory_space<hbm>>
      tpu.wait_indirect_dma semaphore(%arg14 : memref<!tpu.dma_semaphore, #tpu.memory_space<semaphore_mem>>) src(%dma_wait3A_207 : memref<100000x128xf32, #tpu.memory_space<hbm>>) dst(%arg9 : memref<128x128xf32, #tpu.memory_space<vmem>>)
      %mul3A_208 = arith.constant 5 : i32
      %mul3A_209 = arith.muli %scan3A_146, %mul3A_208 : i32
      %add3A_210 = arith.constant 3 : i32
      %add3A_211 = arith.addi %mul3A_209, %add3A_210 : i32
      %add3A_212 = arith.addi %mul3A_2, %add3A_211 : i32
      %mul3A_213 = arith.constant 128 : i32
      %mul3A_214 = arith.muli %add3A_212, %mul3A_213 : i32
      %dma_start3A_215 = arith.constant 0 : i32
      %dma_start3A_216 = tpu.memref_slice %arg4[%mul3A_214, %dma_start3A_215] : memref<819200x128xf32, #tpu.memory_space<hbm>> -> memref<128x128xf32, #tpu.memory_space<hbm>>
      %dma_start3A_217 = arith.constant 0 : i32
      %dma_start3A_218 = tpu.memref_slice %arg4[%mul3A_214, %dma_start3A_217] : memref<819200x128xf32, #tpu.memory_space<hbm>> -> memref<128x128xf32, #tpu.memory_space<hbm>>
      tpu.enqueue_dma source(%arg9 : memref<128x128xf32, #tpu.memory_space<vmem>>) target(%dma_start3A_218 : memref<128x128xf32, #tpu.memory_space<hbm>>) target_semaphore(%arg19 : memref<!tpu.dma_semaphore, #tpu.memory_space<semaphore_mem>>)
      %dma_wait3A_219 = arith.constant 0 : i32
      %dma_wait3A_220 = arith.constant 0 : i32
      %dma_wait3A_221 = tpu.memref_slice %arg5[%dma_wait3A_219, %dma_wait3A_220] : memref<200x128xi32, #tpu.memory_space<vmem>> -> memref<1x128xi32, #tpu.memory_space<vmem>>
      %dma_wait3A_222 = tpu.memref_squeeze %dma_wait3A_221 : memref<1x128xi32, #tpu.memory_space<vmem>> -> memref<128xi32, #tpu.memory_space<vmem>>
      %dma_wait3A_223 = arith.constant 0 : i32
      %dma_wait3A_224 = arith.constant 0 : i32
      %dma_wait3A_225 = tpu.memref_slice %arg2[%dma_wait3A_223, %dma_wait3A_224] : memref<100000x128xf32, #tpu.memory_space<hbm>> -> memref<100000x128xf32, #tpu.memory_space<hbm>>
      tpu.wait_indirect_dma semaphore(%arg15 : memref<!tpu.dma_semaphore, #tpu.memory_space<semaphore_mem>>) src(%dma_wait3A_225 : memref<100000x128xf32, #tpu.memory_space<hbm>>) dst(%arg10 : memref<128x128xf32, #tpu.memory_space<vmem>>)
      %mul3A_226 = arith.constant 5 : i32
      %mul3A_227 = arith.muli %scan3A_146, %mul3A_226 : i32
      %add3A_228 = arith.constant 4 : i32
      %add3A_229 = arith.addi %mul3A_227, %add3A_228 : i32
      %add3A_230 = arith.addi %mul3A_2, %add3A_229 : i32
      %mul3A_231 = arith.constant 128 : i32
      %mul3A_232 = arith.muli %add3A_230, %mul3A_231 : i32
      %dma_start3A_233 = arith.constant 0 : i32
      %dma_start3A_234 = tpu.memref_slice %arg4[%mul3A_232, %dma_start3A_233] : memref<819200x128xf32, #tpu.memory_space<hbm>> -> memref<128x128xf32, #tpu.memory_space<hbm>>
      %dma_start3A_235 = arith.constant 0 : i32
      %dma_start3A_236 = tpu.memref_slice %arg4[%mul3A_232, %dma_start3A_235] : memref<819200x128xf32, #tpu.memory_space<hbm>> -> memref<128x128xf32, #tpu.memory_space<hbm>>
      tpu.enqueue_dma source(%arg10 : memref<128x128xf32, #tpu.memory_space<vmem>>) target(%dma_start3A_236 : memref<128x128xf32, #tpu.memory_space<hbm>>) target_semaphore(%arg20 : memref<!tpu.dma_semaphore, #tpu.memory_space<semaphore_mem>>)
      %dma_wait3A_237 = arith.constant 0 : i32
      %dma_wait3A_238 = arith.constant 0 : i32
      %dma_wait3A_239 = tpu.memref_slice %arg4[%dma_wait3A_237, %dma_wait3A_238] : memref<819200x128xf32, #tpu.memory_space<hbm>> -> memref<128x128xf32, #tpu.memory_space<hbm>>
      %dma_wait3A_240 = arith.constant 0 : i32
      %dma_wait3A_241 = arith.constant 0 : i32
      %dma_wait3A_242 = tpu.memref_slice %arg4[%dma_wait3A_240, %dma_wait3A_241] : memref<819200x128xf32, #tpu.memory_space<hbm>> -> memref<128x128xf32, #tpu.memory_space<hbm>>
      tpu.wait_dma2 semaphore(%arg16 : memref<!tpu.dma_semaphore, #tpu.memory_space<semaphore_mem>>) src(%arg6 : memref<128x128xf32, #tpu.memory_space<vmem>>) dst(%dma_wait3A_242 : memref<128x128xf32, #tpu.memory_space<hbm>>)
      %add3A_243 = arith.constant 1 : i32
      %add3A_244 = arith.addi %scan3A_146, %add3A_243 : i32
      %mul3A_245 = arith.constant 5 : i32
      %mul3A_246 = arith.muli %add3A_244, %mul3A_245 : i32
      %add3A_247 = arith.constant 0 : i32
      %add3A_248 = arith.addi %mul3A_246, %add3A_247 : i32
      %dma_start3A_249 = arith.constant 0 : i32
      %dma_start3A_250 = tpu.memref_slice %arg5[%add3A_248, %dma_start3A_249] : memref<200x128xi32, #tpu.memory_space<vmem>> -> memref<1x128xi32, #tpu.memory_space<vmem>>
      %dma_start3A_251 = tpu.memref_squeeze %dma_start3A_250 : memref<1x128xi32, #tpu.memory_space<vmem>> -> memref<128xi32, #tpu.memory_space<vmem>>
      %dma_start3A_252 = arith.constant 0 : i32
      %dma_start3A_253 = arith.constant 0 : i32
      %dma_start3A_254 = tpu.memref_slice %arg2[%dma_start3A_252, %dma_start3A_253] : memref<100000x128xf32, #tpu.memory_space<hbm>> -> memref<100000x128xf32, #tpu.memory_space<hbm>>
      tpu.enqueue_indirect_dma source(%dma_start3A_254 : memref<100000x128xf32, #tpu.memory_space<hbm>>) target(%arg6 : memref<128x128xf32, #tpu.memory_space<vmem>>) offsets(%dma_start3A_251 : memref<128xi32, #tpu.memory_space<vmem>>) semaphore(%arg11 : memref<!tpu.dma_semaphore, #tpu.memory_space<semaphore_mem>>)
      %dma_wait3A_255 = arith.constant 0 : i32
      %dma_wait3A_256 = arith.constant 0 : i32
      %dma_wait3A_257 = tpu.memref_slice %arg4[%dma_wait3A_255, %dma_wait3A_256] : memref<819200x128xf32, #tpu.memory_space<hbm>> -> memref<128x128xf32, #tpu.memory_space<hbm>>
      %dma_wait3A_258 = arith.constant 0 : i32
      %dma_wait3A_259 = arith.constant 0 : i32
      %dma_wait3A_260 = tpu.memref_slice %arg4[%dma_wait3A_258, %dma_wait3A_259] : memref<819200x128xf32, #tpu.memory_space<hbm>> -> memref<128x128xf32, #tpu.memory_space<hbm>>
      tpu.wait_dma2 semaphore(%arg17 : memref<!tpu.dma_semaphore, #tpu.memory_space<semaphore_mem>>) src(%arg7 : memref<128x128xf32, #tpu.memory_space<vmem>>) dst(%dma_wait3A_260 : memref<128x128xf32, #tpu.memory_space<hbm>>)
      %add3A_261 = arith.constant 1 : i32
      %add3A_262 = arith.addi %scan3A_146, %add3A_261 : i32
      %mul3A_263 = arith.constant 5 : i32
      %mul3A_264 = arith.muli %add3A_262, %mul3A_263 : i32
      %add3A_265 = arith.constant 1 : i32
      %add3A_266 = arith.addi %mul3A_264, %add3A_265 : i32
      %dma_start3A_267 = arith.constant 0 : i32
      %dma_start3A_268 = tpu.memref_slice %arg5[%add3A_266, %dma_start3A_267] : memref<200x128xi32, #tpu.memory_space<vmem>> -> memref<1x128xi32, #tpu.memory_space<vmem>>
      %dma_start3A_269 = tpu.memref_squeeze %dma_start3A_268 : memref<1x128xi32, #tpu.memory_space<vmem>> -> memref<128xi32, #tpu.memory_space<vmem>>
      %dma_start3A_270 = arith.constant 0 : i32
      %dma_start3A_271 = arith.constant 0 : i32
      %dma_start3A_272 = tpu.memref_slice %arg2[%dma_start3A_270, %dma_start3A_271] : memref<100000x128xf32, #tpu.memory_space<hbm>> -> memref<100000x128xf32, #tpu.memory_space<hbm>>
      tpu.enqueue_indirect_dma source(%dma_start3A_272 : memref<100000x128xf32, #tpu.memory_space<hbm>>) target(%arg7 : memref<128x128xf32, #tpu.memory_space<vmem>>) offsets(%dma_start3A_269 : memref<128xi32, #tpu.memory_space<vmem>>) semaphore(%arg12 : memref<!tpu.dma_semaphore, #tpu.memory_space<semaphore_mem>>)
      %dma_wait3A_273 = arith.constant 0 : i32
      %dma_wait3A_274 = arith.constant 0 : i32
      %dma_wait3A_275 = tpu.memref_slice %arg4[%dma_wait3A_273, %dma_wait3A_274] : memref<819200x128xf32, #tpu.memory_space<hbm>> -> memref<128x128xf32, #tpu.memory_space<hbm>>
      %dma_wait3A_276 = arith.constant 0 : i32
      %dma_wait3A_277 = arith.constant 0 : i32
      %dma_wait3A_278 = tpu.memref_slice %arg4[%dma_wait3A_276, %dma_wait3A_277] : memref<819200x128xf32, #tpu.memory_space<hbm>> -> memref<128x128xf32, #tpu.memory_space<hbm>>
      tpu.wait_dma2 semaphore(%arg18 : memref<!tpu.dma_semaphore, #tpu.memory_space<semaphore_mem>>) src(%arg8 : memref<128x128xf32, #tpu.memory_space<vmem>>) dst(%dma_wait3A_278 : memref<128x128xf32, #tpu.memory_space<hbm>>)
      %add3A_279 = arith.constant 1 : i32
      %add3A_280 = arith.addi %scan3A_146, %add3A_279 : i32
      %mul3A_281 = arith.constant 5 : i32
      %mul3A_282 = arith.muli %add3A_280, %mul3A_281 : i32
      %add3A_283 = arith.constant 2 : i32
      %add3A_284 = arith.addi %mul3A_282, %add3A_283 : i32
      %dma_start3A_285 = arith.constant 0 : i32
      %dma_start3A_286 = tpu.memref_slice %arg5[%add3A_284, %dma_start3A_285] : memref<200x128xi32, #tpu.memory_space<vmem>> -> memref<1x128xi32, #tpu.memory_space<vmem>>
      %dma_start3A_287 = tpu.memref_squeeze %dma_start3A_286 : memref<1x128xi32, #tpu.memory_space<vmem>> -> memref<128xi32, #tpu.memory_space<vmem>>
      %dma_start3A_288 = arith.constant 0 : i32
      %dma_start3A_289 = arith.constant 0 : i32
      %dma_start3A_290 = tpu.memref_slice %arg2[%dma_start3A_288, %dma_start3A_289] : memref<100000x128xf32, #tpu.memory_space<hbm>> -> memref<100000x128xf32, #tpu.memory_space<hbm>>
      tpu.enqueue_indirect_dma source(%dma_start3A_290 : memref<100000x128xf32, #tpu.memory_space<hbm>>) target(%arg8 : memref<128x128xf32, #tpu.memory_space<vmem>>) offsets(%dma_start3A_287 : memref<128xi32, #tpu.memory_space<vmem>>) semaphore(%arg13 : memref<!tpu.dma_semaphore, #tpu.memory_space<semaphore_mem>>)
      %dma_wait3A_291 = arith.constant 0 : i32
      %dma_wait3A_292 = arith.constant 0 : i32
      %dma_wait3A_293 = tpu.memref_slice %arg4[%dma_wait3A_291, %dma_wait3A_292] : memref<819200x128xf32, #tpu.memory_space<hbm>> -> memref<128x128xf32, #tpu.memory_space<hbm>>
      %dma_wait3A_294 = arith.constant 0 : i32
      %dma_wait3A_295 = arith.constant 0 : i32
      %dma_wait3A_296 = tpu.memref_slice %arg4[%dma_wait3A_294, %dma_wait3A_295] : memref<819200x128xf32, #tpu.memory_space<hbm>> -> memref<128x128xf32, #tpu.memory_space<hbm>>
      tpu.wait_dma2 semaphore(%arg19 : memref<!tpu.dma_semaphore, #tpu.memory_space<semaphore_mem>>) src(%arg9 : memref<128x128xf32, #tpu.memory_space<vmem>>) dst(%dma_wait3A_296 : memref<128x128xf32, #tpu.memory_space<hbm>>)
      %add3A_297 = arith.constant 1 : i32
      %add3A_298 = arith.addi %scan3A_146, %add3A_297 : i32
      %mul3A_299 = arith.constant 5 : i32
      %mul3A_300 = arith.muli %add3A_298, %mul3A_299 : i32
      %add3A_301 = arith.constant 3 : i32
      %add3A_302 = arith.addi %mul3A_300, %add3A_301 : i32
      %dma_start3A_303 = arith.constant 0 : i32
      %dma_start3A_304 = tpu.memref_slice %arg5[%add3A_302, %dma_start3A_303] : memref<200x128xi32, #tpu.memory_space<vmem>> -> memref<1x128xi32, #tpu.memory_space<vmem>>
      %dma_start3A_305 = tpu.memref_squeeze %dma_start3A_304 : memref<1x128xi32, #tpu.memory_space<vmem>> -> memref<128xi32, #tpu.memory_space<vmem>>
      %dma_start3A_306 = arith.constant 0 : i32
      %dma_start3A_307 = arith.constant 0 : i32
      %dma_start3A_308 = tpu.memref_slice %arg2[%dma_start3A_306, %dma_start3A_307] : memref<100000x128xf32, #tpu.memory_space<hbm>> -> memref<100000x128xf32, #tpu.memory_space<hbm>>
      tpu.enqueue_indirect_dma source(%dma_start3A_308 : memref<100000x128xf32, #tpu.memory_space<hbm>>) target(%arg9 : memref<128x128xf32, #tpu.memory_space<vmem>>) offsets(%dma_start3A_305 : memref<128xi32, #tpu.memory_space<vmem>>) semaphore(%arg14 : memref<!tpu.dma_semaphore, #tpu.memory_space<semaphore_mem>>)
      %dma_wait3A_309 = arith.constant 0 : i32
      %dma_wait3A_310 = arith.constant 0 : i32
      %dma_wait3A_311 = tpu.memref_slice %arg4[%dma_wait3A_309, %dma_wait3A_310] : memref<819200x128xf32, #tpu.memory_space<hbm>> -> memref<128x128xf32, #tpu.memory_space<hbm>>
      %dma_wait3A_312 = arith.constant 0 : i32
      %dma_wait3A_313 = arith.constant 0 : i32
      %dma_wait3A_314 = tpu.memref_slice %arg4[%dma_wait3A_312, %dma_wait3A_313] : memref<819200x128xf32, #tpu.memory_space<hbm>> -> memref<128x128xf32, #tpu.memory_space<hbm>>
      tpu.wait_dma2 semaphore(%arg20 : memref<!tpu.dma_semaphore, #tpu.memory_space<semaphore_mem>>) src(%arg10 : memref<128x128xf32, #tpu.memory_space<vmem>>) dst(%dma_wait3A_314 : memref<128x128xf32, #tpu.memory_space<hbm>>)
      %add3A_315 = arith.constant 1 : i32
      %add3A_316 = arith.addi %scan3A_146, %add3A_315 : i32
      %mul3A_317 = arith.constant 5 : i32
      %mul3A_318 = arith.muli %add3A_316, %mul3A_317 : i32
      %add3A_319 = arith.constant 4 : i32
      %add3A_320 = arith.addi %mul3A_318, %add3A_319 : i32
      %dma_start3A_321 = arith.constant 0 : i32
      %dma_start3A_322 = tpu.memref_slice %arg5[%add3A_320, %dma_start3A_321] : memref<200x128xi32, #tpu.memory_space<vmem>> -> memref<1x128xi32, #tpu.memory_space<vmem>>
      %dma_start3A_323 = tpu.memref_squeeze %dma_start3A_322 : memref<1x128xi32, #tpu.memory_space<vmem>> -> memref<128xi32, #tpu.memory_space<vmem>>
      %dma_start3A_324 = arith.constant 0 : i32
      %dma_start3A_325 = arith.constant 0 : i32
      %dma_start3A_326 = tpu.memref_slice %arg2[%dma_start3A_324, %dma_start3A_325] : memref<100000x128xf32, #tpu.memory_space<hbm>> -> memref<100000x128xf32, #tpu.memory_space<hbm>>
      tpu.enqueue_indirect_dma source(%dma_start3A_326 : memref<100000x128xf32, #tpu.memory_space<hbm>>) target(%arg10 : memref<128x128xf32, #tpu.memory_space<vmem>>) offsets(%dma_start3A_323 : memref<128xi32, #tpu.memory_space<vmem>>) semaphore(%arg15 : memref<!tpu.dma_semaphore, #tpu.memory_space<semaphore_mem>>)
    }
    %scan3A_41 = arith.constant 39 : i32
    %dma_wait3A = arith.constant 0 : i32
    %dma_wait3A_42 = arith.constant 0 : i32
    %dma_wait3A_43 = tpu.memref_slice %arg5[%dma_wait3A, %dma_wait3A_42] : memref<200x128xi32, #tpu.memory_space<vmem>> -> memref<1x128xi32, #tpu.memory_space<vmem>>
    %dma_wait3A_44 = tpu.memref_squeeze %dma_wait3A_43 : memref<1x128xi32, #tpu.memory_space<vmem>> -> memref<128xi32, #tpu.memory_space<vmem>>
    %dma_wait3A_45 = arith.constant 0 : i32
    %dma_wait3A_46 = arith.constant 0 : i32
    %dma_wait3A_47 = tpu.memref_slice %arg2[%dma_wait3A_45, %dma_wait3A_46] : memref<100000x128xf32, #tpu.memory_space<hbm>> -> memref<100000x128xf32, #tpu.memory_space<hbm>>
    tpu.wait_indirect_dma semaphore(%arg11 : memref<!tpu.dma_semaphore, #tpu.memory_space<semaphore_mem>>) src(%dma_wait3A_47 : memref<100000x128xf32, #tpu.memory_space<hbm>>) dst(%arg6 : memref<128x128xf32, #tpu.memory_space<vmem>>)
    %add3A_48 = arith.constant 195 : i32
    %add3A_49 = arith.addi %mul3A_2, %add3A_48 : i32
    %mul3A_50 = arith.constant 128 : i32
    %mul3A_51 = arith.muli %add3A_49, %mul3A_50 : i32
    %dma_start3A_52 = arith.constant 0 : i32
    %dma_start3A_53 = tpu.memref_slice %arg4[%mul3A_51, %dma_start3A_52] : memref<819200x128xf32, #tpu.memory_space<hbm>> -> memref<128x128xf32, #tpu.memory_space<hbm>>
    %dma_start3A_54 = arith.constant 0 : i32
    %dma_start3A_55 = tpu.memref_slice %arg4[%mul3A_51, %dma_start3A_54] : memref<819200x128xf32, #tpu.memory_space<hbm>> -> memref<128x128xf32, #tpu.memory_space<hbm>>
    tpu.enqueue_dma source(%arg6 : memref<128x128xf32, #tpu.memory_space<vmem>>) target(%dma_start3A_55 : memref<128x128xf32, #tpu.memory_space<hbm>>) target_semaphore(%arg16 : memref<!tpu.dma_semaphore, #tpu.memory_space<semaphore_mem>>)
    %dma_wait3A_56 = arith.constant 0 : i32
    %dma_wait3A_57 = arith.constant 0 : i32
    %dma_wait3A_58 = tpu.memref_slice %arg5[%dma_wait3A_56, %dma_wait3A_57] : memref<200x128xi32, #tpu.memory_space<vmem>> -> memref<1x128xi32, #tpu.memory_space<vmem>>
    %dma_wait3A_59 = tpu.memref_squeeze %dma_wait3A_58 : memref<1x128xi32, #tpu.memory_space<vmem>> -> memref<128xi32, #tpu.memory_space<vmem>>
    %dma_wait3A_60 = arith.constant 0 : i32
    %dma_wait3A_61 = arith.constant 0 : i32
    %dma_wait3A_62 = tpu.memref_slice %arg2[%dma_wait3A_60, %dma_wait3A_61] : memref<100000x128xf32, #tpu.memory_space<hbm>> -> memref<100000x128xf32, #tpu.memory_space<hbm>>
    tpu.wait_indirect_dma semaphore(%arg12 : memref<!tpu.dma_semaphore, #tpu.memory_space<semaphore_mem>>) src(%dma_wait3A_62 : memref<100000x128xf32, #tpu.memory_space<hbm>>) dst(%arg7 : memref<128x128xf32, #tpu.memory_space<vmem>>)
    %add3A_63 = arith.constant 196 : i32
    %add3A_64 = arith.addi %mul3A_2, %add3A_63 : i32
    %mul3A_65 = arith.constant 128 : i32
    %mul3A_66 = arith.muli %add3A_64, %mul3A_65 : i32
    %dma_start3A_67 = arith.constant 0 : i32
    %dma_start3A_68 = tpu.memref_slice %arg4[%mul3A_66, %dma_start3A_67] : memref<819200x128xf32, #tpu.memory_space<hbm>> -> memref<128x128xf32, #tpu.memory_space<hbm>>
    %dma_start3A_69 = arith.constant 0 : i32
    %dma_start3A_70 = tpu.memref_slice %arg4[%mul3A_66, %dma_start3A_69] : memref<819200x128xf32, #tpu.memory_space<hbm>> -> memref<128x128xf32, #tpu.memory_space<hbm>>
    tpu.enqueue_dma source(%arg7 : memref<128x128xf32, #tpu.memory_space<vmem>>) target(%dma_start3A_70 : memref<128x128xf32, #tpu.memory_space<hbm>>) target_semaphore(%arg17 : memref<!tpu.dma_semaphore, #tpu.memory_space<semaphore_mem>>)
    %dma_wait3A_71 = arith.constant 0 : i32
    %dma_wait3A_72 = arith.constant 0 : i32
    %dma_wait3A_73 = tpu.memref_slice %arg5[%dma_wait3A_71, %dma_wait3A_72] : memref<200x128xi32, #tpu.memory_space<vmem>> -> memref<1x128xi32, #tpu.memory_space<vmem>>
    %dma_wait3A_74 = tpu.memref_squeeze %dma_wait3A_73 : memref<1x128xi32, #tpu.memory_space<vmem>> -> memref<128xi32, #tpu.memory_space<vmem>>
    %dma_wait3A_75 = arith.constant 0 : i32
    %dma_wait3A_76 = arith.constant 0 : i32
    %dma_wait3A_77 = tpu.memref_slice %arg2[%dma_wait3A_75, %dma_wait3A_76] : memref<100000x128xf32, #tpu.memory_space<hbm>> -> memref<100000x128xf32, #tpu.memory_space<hbm>>
    tpu.wait_indirect_dma semaphore(%arg13 : memref<!tpu.dma_semaphore, #tpu.memory_space<semaphore_mem>>) src(%dma_wait3A_77 : memref<100000x128xf32, #tpu.memory_space<hbm>>) dst(%arg8 : memref<128x128xf32, #tpu.memory_space<vmem>>)
    %add3A_78 = arith.constant 197 : i32
    %add3A_79 = arith.addi %mul3A_2, %add3A_78 : i32
    %mul3A_80 = arith.constant 128 : i32
    %mul3A_81 = arith.muli %add3A_79, %mul3A_80 : i32
    %dma_start3A_82 = arith.constant 0 : i32
    %dma_start3A_83 = tpu.memref_slice %arg4[%mul3A_81, %dma_start3A_82] : memref<819200x128xf32, #tpu.memory_space<hbm>> -> memref<128x128xf32, #tpu.memory_space<hbm>>
    %dma_start3A_84 = arith.constant 0 : i32
    %dma_start3A_85 = tpu.memref_slice %arg4[%mul3A_81, %dma_start3A_84] : memref<819200x128xf32, #tpu.memory_space<hbm>> -> memref<128x128xf32, #tpu.memory_space<hbm>>
    tpu.enqueue_dma source(%arg8 : memref<128x128xf32, #tpu.memory_space<vmem>>) target(%dma_start3A_85 : memref<128x128xf32, #tpu.memory_space<hbm>>) target_semaphore(%arg18 : memref<!tpu.dma_semaphore, #tpu.memory_space<semaphore_mem>>)
    %dma_wait3A_86 = arith.constant 0 : i32
    %dma_wait3A_87 = arith.constant 0 : i32
    %dma_wait3A_88 = tpu.memref_slice %arg5[%dma_wait3A_86, %dma_wait3A_87] : memref<200x128xi32, #tpu.memory_space<vmem>> -> memref<1x128xi32, #tpu.memory_space<vmem>>
    %dma_wait3A_89 = tpu.memref_squeeze %dma_wait3A_88 : memref<1x128xi32, #tpu.memory_space<vmem>> -> memref<128xi32, #tpu.memory_space<vmem>>
    %dma_wait3A_90 = arith.constant 0 : i32
    %dma_wait3A_91 = arith.constant 0 : i32
    %dma_wait3A_92 = tpu.memref_slice %arg2[%dma_wait3A_90, %dma_wait3A_91] : memref<100000x128xf32, #tpu.memory_space<hbm>> -> memref<100000x128xf32, #tpu.memory_space<hbm>>
    tpu.wait_indirect_dma semaphore(%arg14 : memref<!tpu.dma_semaphore, #tpu.memory_space<semaphore_mem>>) src(%dma_wait3A_92 : memref<100000x128xf32, #tpu.memory_space<hbm>>) dst(%arg9 : memref<128x128xf32, #tpu.memory_space<vmem>>)
    %add3A_93 = arith.constant 198 : i32
    %add3A_94 = arith.addi %mul3A_2, %add3A_93 : i32
    %mul3A_95 = arith.constant 128 : i32
    %mul3A_96 = arith.muli %add3A_94, %mul3A_95 : i32
    %dma_start3A_97 = arith.constant 0 : i32
    %dma_start3A_98 = tpu.memref_slice %arg4[%mul3A_96, %dma_start3A_97] : memref<819200x128xf32, #tpu.memory_space<hbm>> -> memref<128x128xf32, #tpu.memory_space<hbm>>
    %dma_start3A_99 = arith.constant 0 : i32
    %dma_start3A_100 = tpu.memref_slice %arg4[%mul3A_96, %dma_start3A_99] : memref<819200x128xf32, #tpu.memory_space<hbm>> -> memref<128x128xf32, #tpu.memory_space<hbm>>
    tpu.enqueue_dma source(%arg9 : memref<128x128xf32, #tpu.memory_space<vmem>>) target(%dma_start3A_100 : memref<128x128xf32, #tpu.memory_space<hbm>>) target_semaphore(%arg19 : memref<!tpu.dma_semaphore, #tpu.memory_space<semaphore_mem>>)
    %dma_wait3A_101 = arith.constant 0 : i32
    %dma_wait3A_102 = arith.constant 0 : i32
    %dma_wait3A_103 = tpu.memref_slice %arg5[%dma_wait3A_101, %dma_wait3A_102] : memref<200x128xi32, #tpu.memory_space<vmem>> -> memref<1x128xi32, #tpu.memory_space<vmem>>
    %dma_wait3A_104 = tpu.memref_squeeze %dma_wait3A_103 : memref<1x128xi32, #tpu.memory_space<vmem>> -> memref<128xi32, #tpu.memory_space<vmem>>
    %dma_wait3A_105 = arith.constant 0 : i32
    %dma_wait3A_106 = arith.constant 0 : i32
    %dma_wait3A_107 = tpu.memref_slice %arg2[%dma_wait3A_105, %dma_wait3A_106] : memref<100000x128xf32, #tpu.memory_space<hbm>> -> memref<100000x128xf32, #tpu.memory_space<hbm>>
    tpu.wait_indirect_dma semaphore(%arg15 : memref<!tpu.dma_semaphore, #tpu.memory_space<semaphore_mem>>) src(%dma_wait3A_107 : memref<100000x128xf32, #tpu.memory_space<hbm>>) dst(%arg10 : memref<128x128xf32, #tpu.memory_space<vmem>>)
    %add3A_108 = arith.constant 199 : i32
    %add3A_109 = arith.addi %mul3A_2, %add3A_108 : i32
    %mul3A_110 = arith.constant 128 : i32
    %mul3A_111 = arith.muli %add3A_109, %mul3A_110 : i32
    %dma_start3A_112 = arith.constant 0 : i32
    %dma_start3A_113 = tpu.memref_slice %arg4[%mul3A_111, %dma_start3A_112] : memref<819200x128xf32, #tpu.memory_space<hbm>> -> memref<128x128xf32, #tpu.memory_space<hbm>>
    %dma_start3A_114 = arith.constant 0 : i32
    %dma_start3A_115 = tpu.memref_slice %arg4[%mul3A_111, %dma_start3A_114] : memref<819200x128xf32, #tpu.memory_space<hbm>> -> memref<128x128xf32, #tpu.memory_space<hbm>>
    tpu.enqueue_dma source(%arg10 : memref<128x128xf32, #tpu.memory_space<vmem>>) target(%dma_start3A_115 : memref<128x128xf32, #tpu.memory_space<hbm>>) target_semaphore(%arg20 : memref<!tpu.dma_semaphore, #tpu.memory_space<semaphore_mem>>)
    %dma_wait3A_116 = arith.constant 0 : i32
    %dma_wait3A_117 = arith.constant 0 : i32
    %dma_wait3A_118 = tpu.memref_slice %arg4[%dma_wait3A_116, %dma_wait3A_117] : memref<819200x128xf32, #tpu.memory_space<hbm>> -> memref<128x128xf32, #tpu.memory_space<hbm>>
    %dma_wait3A_119 = arith.constant 0 : i32
    %dma_wait3A_120 = arith.constant 0 : i32
    %dma_wait3A_121 = tpu.memref_slice %arg4[%dma_wait3A_119, %dma_wait3A_120] : memref<819200x128xf32, #tpu.memory_space<hbm>> -> memref<128x128xf32, #tpu.memory_space<hbm>>
    tpu.wait_dma2 semaphore(%arg16 : memref<!tpu.dma_semaphore, #tpu.memory_space<semaphore_mem>>) src(%arg6 : memref<128x128xf32, #tpu.memory_space<vmem>>) dst(%dma_wait3A_121 : memref<128x128xf32, #tpu.memory_space<hbm>>)
    %dma_wait3A_122 = arith.constant 0 : i32
    %dma_wait3A_123 = arith.constant 0 : i32
    %dma_wait3A_124 = tpu.memref_slice %arg4[%dma_wait3A_122, %dma_wait3A_123] : memref<819200x128xf32, #tpu.memory_space<hbm>> -> memref<128x128xf32, #tpu.memory_space<hbm>>
    %dma_wait3A_125 = arith.constant 0 : i32
    %dma_wait3A_126 = arith.constant 0 : i32
    %dma_wait3A_127 = tpu.memref_slice %arg4[%dma_wait3A_125, %dma_wait3A_126] : memref<819200x128xf32, #tpu.memory_space<hbm>> -> memref<128x128xf32, #tpu.memory_space<hbm>>
    tpu.wait_dma2 semaphore(%arg17 : memref<!tpu.dma_semaphore, #tpu.memory_space<semaphore_mem>>) src(%arg7 : memref<128x128xf32, #tpu.memory_space<vmem>>) dst(%dma_wait3A_127 : memref<128x128xf32, #tpu.memory_space<hbm>>)
    %dma_wait3A_128 = arith.constant 0 : i32
    %dma_wait3A_129 = arith.constant 0 : i32
    %dma_wait3A_130 = tpu.memref_slice %arg4[%dma_wait3A_128, %dma_wait3A_129] : memref<819200x128xf32, #tpu.memory_space<hbm>> -> memref<128x128xf32, #tpu.memory_space<hbm>>
    %dma_wait3A_131 = arith.constant 0 : i32
    %dma_wait3A_132 = arith.constant 0 : i32
    %dma_wait3A_133 = tpu.memref_slice %arg4[%dma_wait3A_131, %dma_wait3A_132] : memref<819200x128xf32, #tpu.memory_space<hbm>> -> memref<128x128xf32, #tpu.memory_space<hbm>>
    tpu.wait_dma2 semaphore(%arg18 : memref<!tpu.dma_semaphore, #tpu.memory_space<semaphore_mem>>) src(%arg8 : memref<128x128xf32, #tpu.memory_space<vmem>>) dst(%dma_wait3A_133 : memref<128x128xf32, #tpu.memory_space<hbm>>)
    %dma_wait3A_134 = arith.constant 0 : i32
    %dma_wait3A_135 = arith.constant 0 : i32
    %dma_wait3A_136 = tpu.memref_slice %arg4[%dma_wait3A_134, %dma_wait3A_135] : memref<819200x128xf32, #tpu.memory_space<hbm>> -> memref<128x128xf32, #tpu.memory_space<hbm>>
    %dma_wait3A_137 = arith.constant 0 : i32
    %dma_wait3A_138 = arith.constant 0 : i32
    %dma_wait3A_139 = tpu.memref_slice %arg4[%dma_wait3A_137, %dma_wait3A_138] : memref<819200x128xf32, #tpu.memory_space<hbm>> -> memref<128x128xf32, #tpu.memory_space<hbm>>
    tpu.wait_dma2 semaphore(%arg19 : memref<!tpu.dma_semaphore, #tpu.memory_space<semaphore_mem>>) src(%arg9 : memref<128x128xf32, #tpu.memory_space<vmem>>) dst(%dma_wait3A_139 : memref<128x128xf32, #tpu.memory_space<hbm>>)
    %dma_wait3A_140 = arith.constant 0 : i32
    %dma_wait3A_141 = arith.constant 0 : i32
    %dma_wait3A_142 = tpu.memref_slice %arg4[%dma_wait3A_140, %dma_wait3A_141] : memref<819200x128xf32, #tpu.memory_space<hbm>> -> memref<128x128xf32, #tpu.memory_space<hbm>>
    %dma_wait3A_143 = arith.constant 0 : i32
    %dma_wait3A_144 = arith.constant 0 : i32
    %dma_wait3A_145 = tpu.memref_slice %arg4[%dma_wait3A_143, %dma_wait3A_144] : memref<819200x128xf32, #tpu.memory_space<hbm>> -> memref<128x128xf32, #tpu.memory_space<hbm>>
    tpu.wait_dma2 semaphore(%arg20 : memref<!tpu.dma_semaphore, #tpu.memory_space<semaphore_mem>>) src(%arg10 : memref<128x128xf32, #tpu.memory_space<vmem>>) dst(%dma_wait3A_145 : memref<128x128xf32, #tpu.memory_space<hbm>>)
    return
  }
}

</mosaic_0001>

<sc_bundles>
// kernel: kernel.3.cloned.1.call-start
scs
__scs_entry_jumppad:
0x0: {  	(pc) =	sbr.rel $0x88, $3  }
0x1: {  	(tag) =	ssettag $0x0;
	lr =	simm.s32 $0x1  }
0x2: {  	[smem:$0x3F9F] =	sst lr;
	_ =	strace $0xD0000000  }
0x3: {  	_ = 	snop  }
0x4: {  	_ = 	snop  }
0x5: {  	_ = 	snop  }
0x6: {  	_ = 	snop  }
0x7: {  	_ = 	snop  }
__scs_overlays_trampoline_lowered:
0x8: {  	[smem:$0x3FAE] =	sst s0  }
0x9: {  	[smem:$0x3FAF] =	sst s1  }
0xa: {  	[smem:$0x3FB0] =	sst s2  }
0xb: {  	[smem:$0x3FB1] =	sst s3  }
0xc: {  	[smem:$0x3FB2] =	sst s4  }
0xd: {  	[smem:$0x3FB3] =	sst s5  }
0xe: {  	[smem:$0x3FB4] =	sst s6  }
0xf: {  	[smem:$0x3FB5] =	sst s7  }
0x10: {  	[smem:$0x3FB6] =	sst s8  }
0x11: {  	[smem:$0x3FB7] =	sst s9;
	s0 =	simm.s32 @!p0 $0x0  }
0x12: {  	s1 =	sld [smem:$0x3F9D];
	s0 =	simm.s32 @p0 $0x1  }
0x13: {  	[smem:$0x3FB8] =	sst s0;
	s0 =	simm.s32 @!p1 $0x0  }
0x14: {  	s2 =	sld [smem:$0x3F9C];
	s0 =	simm.s32 @p1 $0x1  }
0x15: {  	[smem:$0x3FB9] =	sst s0;
	s0 =	simm.s32 @!p2 $0x0  }
0x16: {  	s3 =	sld [smem:$0x3FDB];
	s0 =	simm.s32 @p2 $0x1  }
0x17: {  	s4 =	simm.s32 $0x1BF5;
	[smem:$0x3FBB] =	sst s0  }
0x18: {  	s0 =	sld [smem:$0x3F9E];
	_ =	swait.ge [sflag:s4], $0x0  }
0x19: {  	s7 =	sld [smem:$0x3F9F]  }
0x1a: {  	s8 =	sadd.s32 $0xFFFFE003, lr  }
0x1b: {  	s9 =	sadd.s32 $0xFFFFFEF7, lr;
	s5 =	simm.s32 $0xFFFFFFFF;
	p2 =	slt.u32 s8, $0xFFFFF086  }
0x1c: {  	p1 =	slt.u32 s9, $0xF7A;
	s5 =	simm.s32 @!p2 $0x0  }
0x1d: {  	s5 =	simm.s32 @p1 $0x1;
	p0 =	seq.s32 s7, s2  }
0x1e: {  	s7 =	smul.u32 @!p0 $0xF7A, s2;
	p2 =	seq.s32 @!p0 s5, $0x0  }
0x1f: {  	s9 =	smul.u32 $0xF7A, s1;
	s8 =	simm.s32 @!p0 $0x1BF5;
	p2 =	por !p2, p0  }
0x20: {  	[sflag:s8] =	ssyncset.s32 @!p0 $0xFFFFF086;
	s6 =	sadd.s32 @!p0 s3, s7;
	s7 =	simm.s32 @!p0 $0x108  }
0x21: {  	s3 =	sadd.s32 s3, s9;
	s6 =	sadd.s32 @!p0 $0x88, s6;
	s7 =	simm.s32 @p2 $0x1082  }
0x22: {  	[simem:s7], [sflag:s8] =	dma.local @!p0 [hbm:s6], $0xF7A  }
0x23: {  	s9 =	sor.u32 $0xD0000000, s2;
	s6 =	simm.s32 $0x108;
	_ =	swait.ge @!p0 [sflag:s8], $0x0  }
0x24: {  	s3 =	sadd.s32 $0x88, s3;
	s6 =	simm.s32 @!p1 $0x1082;
	[sflag:s4] =	ssyncset.s32 $0xFFFFF086  }
0x25: {  	[simem:s6], [sflag:s4] =	dma.local [hbm:s3], $0xF7A  }
0x26: {  	[smem:$0x3F9F] =	sst s1;
	(tag) =	ssettag s2;
	_ =	strace s9  }
0x27: {  	s1 =	sld [smem:$0x3FAF]  }
0x28: {  	s2 =	sld [smem:$0x3FB0]  }
0x29: {  	s4 =	sld [smem:$0x3FB2]  }
0x2a: {  	p0 =	seq.s32 s5, $0x0;
	s5 =	sld [smem:$0x3FB3]  }
0x2b: {  	s6 =	sld [smem:$0x3FB4]  }
0x2c: {  	s7 =	sld [smem:$0x3FB5]  }
0x2d: {  	s3 =	simm.s32 $0x108;
	s8 =	sld [smem:$0x3FB6]  }
0x2e: {  	s3 =	simm.s32 @!p0 $0x1082;
	s9 =	sld [smem:$0x3FB7]  }
0x2f: {  	lr =	sadd.s32 s0, s3;
	s0 =	sld [smem:$0x3FAE]  }
0x30: {  	s3 =	sld [smem:$0x3FB1]  }
0x31: {  	[smem:$0x3FBA] =	sst s10  }
0x32: {  	s10 =	sld [smem:$0x3FB8];
	_ =	sdelay $0x3  }
0x33: {  	p0 =	seq.s32 s10, $0x1;
	s10 =	sld [smem:$0x3FBA];
	_ =	sdelay $0x3  }
0x34: {  	[smem:$0x3FBA] =	sst s10  }
0x35: {  	s10 =	sld [smem:$0x3FB9];
	_ =	sdelay $0x3  }
0x36: {  	p1 =	seq.s32 s10, $0x1;
	s10 =	sld [smem:$0x3FBA];
	_ =	sdelay $0x3  }
0x37: {  	[smem:$0x3FBA] =	sst s10  }
0x38: {  	s10 =	sld [smem:$0x3FBB]  }
0x39: {  	_ = 	snop;
	(pc) =	sbr.ind lr, $3  }
0x3a: {  	_ = 	snop  }
0x3b: {  	_ = 	snop  }
0x3c: {  	p2 =	seq.s32 s10, $0x1;
	s10 =	sld [smem:$0x3FBA]  }
0x3d: {  	_ =	shalt  }
0x3e: {  	_ =	shalt  }
0x3f: {  	_ =	shalt  }
0x40: {  	_ =	shalt  }
0x41: {  	_ =	shalt  }
0x42: {  	_ =	shalt  }
0x43: {  	_ =	shalt  }
0x44: {  	_ =	shalt  }
0x45: {  	_ =	shalt  }
0x46: {  	_ =	shalt  }
0x47: {  	_ =	shalt  }
0x48: {  	_ =	shalt  }
0x49: {  	_ =	shalt  }
0x4a: {  	_ =	shalt  }
0x4b: {  	_ =	shalt  }
0x4c: {  	_ =	shalt  }
0x4d: {  	_ =	shalt  }
0x4e: {  	_ =	shalt  }
0x4f: {  	_ =	shalt  }
0x50: {  	_ =	shalt  }
0x51: {  	_ =	shalt  }
0x52: {  	_ =	shalt  }
0x53: {  	_ =	shalt  }
0x54: {  	_ =	shalt  }
0x55: {  	_ =	shalt  }
0x56: {  	_ =	shalt  }
0x57: {  	_ =	shalt  }
0x58: {  	_ =	shalt  }
0x59: {  	_ =	shalt  }
0x5a: {  	_ =	shalt  }
0x5b: {  	_ =	shalt  }
0x5c: {  	_ =	shalt  }
0x5d: {  	_ =	shalt  }
0x5e: {  	_ =	shalt  }
0x5f: {  	_ =	shalt  }
0x60: {  	_ =	shalt  }
0x61: {  	_ =	shalt  }
0x62: {  	_ =	shalt  }
0x63: {  	_ =	shalt  }
0x64: {  	_ =	shalt  }
0x65: {  	_ =	shalt  }
0x66: {  	_ =	shalt  }
0x67: {  	_ =	shalt  }
0x68: {  	_ =	shalt  }
0x69: {  	_ =	shalt  }
0x6a: {  	_ =	shalt  }
0x6b: {  	_ =	shalt  }
0x6c: {  	_ =	shalt  }
0x6d: {  	_ =	shalt  }
0x6e: {  	_ =	shalt  }
0x6f: {  	_ =	shalt  }
0x70: {  	_ =	shalt  }
0x71: {  	_ =	shalt  }
0x72: {  	_ =	shalt  }
0x73: {  	_ =	shalt  }
0x74: {  	_ =	shalt  }
0x75: {  	_ =	shalt  }
0x76: {  	_ =	shalt  }
0x77: {  	_ =	shalt  }
0x78: {  	_ =	shalt  }
0x79: {  	_ =	shalt  }
0x7a: {  	_ =	shalt  }
0x7b: {  	_ =	shalt  }
0x7c: {  	_ =	shalt  }
0x7d: {  	_ =	shalt  }
0x7e: {  	_ =	shalt  }
0x7f: {  	_ =	shalt  }
0x80: {  	_ =	shalt  }
0x81: {  	_ =	shalt  }
0x82: {  	_ =	shalt  }
0x83: {  	_ =	shalt  }
0x84: {  	_ =	shalt  }
0x85: {  	_ =	shalt  }
0x86: {  	_ =	shalt  }
0x87: {  	_ =	shalt  }
.Lfunc_end0:
.L_simem_size_0:
called_computation.1_lowered:
.L_overlay_start_0:
0x88: {  	s2 =	sld [smem:$0x3FD9]  }
0x89: {  	s3 =	sld [smem:$0x3FFE];
	_ =	sdelay $0x1  }
0x8a: {  	s1 =	srdreg.scid  }
0x8b: {  	s0 =	sand.u32 $0x1, s1  }
0x8c: {  	s16 =	sshll.u32 s0, $0xA;
	s2 =	sadd.s32 s3, s2  }
0x8d: {  	s2 =	sadd.s32 s2, s16  }
0x8e: {  	[smem:$0x3FC6] =	sst s2  }
0x8f: {  	_ = 	snop  }
0x90: {  	(tm) =	ssettm $0x1  }
0x91: {  	s17 =	sld [smem:$0x3FFB];
	_ =	sdelay $0x3  }
0x92: {  	_ =	strace s17  }
0x93: {  	s2 =	sld [smem:$0x3FFC];
	_ =	sdelay $0x3  }
0x94: {  	_ =	strace s2  }
0x95: {  	s2 =	sld [smem:$0x3FFD];
	_ =	sdelay $0x3  }
0x96: {  	_ =	strace s2  }
0x97: {  	_ =	strace $0x8FFFFFFF  }
0x98: {  	s18 =	sld [smem:$0x3FDB];
	_ =	sdelay $0x1  }
0x99: {  	s19 =	simm.s32 $_scs_section_size  }
0x9a: {  	s4 =	simm.s32 $_size__tile_overlayer_lowered;
	s5 =	simm.s32 $_tile_overlayer_lowered  }
0x9b: {  	s22 =	simm.s32 $0x1BFF;
	s21 =	sshll.u32 s5, $0x1;
	s2 =	sadd.s32 s19, s18  }
0x9c: {  	s6 =	simm.s32 $0x0;
	s20 =	sshll.u32 s4, $0x1;
	s4 =	sadd.s32 s21, s2  }
0x9d: {  	[timem:s6], [sflag:s22] =	dma.local [hbm:s4], s20  }
0x9e: {  	_ =	swait.ge [sflag:s22], s20  }
0x9f: {  	s3 =	ssub.s32 $0x0, s20;
	[sflag:s22] =	ssyncset.done $0x0  }
0xa0: {  	[sflag:s22] =	ssyncadd.s32 s3;
	_ =	sdelay $0x1  }
0xa1: {  	s23 =	simm.s32 $0x1B8B  }
0xa2: {  	_ =	swait.ge [sflag:s23], $0x1  }
0xa3: {  	[sflag:s23] =	ssyncset.done $0x0  }
0xa4: {  	s25 =	simm.s32 $0x1B8E;
	s24 =	sld [smem:$0x3FFE];
	[sflag:s23] =	ssyncadd.s32 $0xFFFFFFFF  }
0xa5: {  	s26 =	simm.s32 $execute0_lowered;
	[smem:$0x3FD2] =	sst s25  }
0xa6: {  	s4 =	sshll.u32 s26, $0x1;
	_ =	strace $0x80000046;
	[dreg:$0x1] =	wrdreg $0xFFFFFFFF  }
0xa7: {  	s28 =	simm.s32 $_size_execute0_lowered;
	s2 =	sadd.s32 s2, s4;
	[dreg:$0x0] =	wrdreg $0x0  }
0xa8: {  	s4 =	sshll.u32 s28, $0x1;
	[dreg:$0x2] =	wrdreg s2  }
0xa9: {  	[dreg:$0x3] =	wrdreg s4  }
0xaa: {  	[dreg:$0x4] =	wrdreg $0xC0  }
0xab: {  	_ =	task [dreg:s6], $0x5FFFF  }
0xac: {  	[dreg:$0x1] =	wrdreg $0xFFFFFFFF  }
0xad: {  	[dreg:$0x0] =	wrdreg $0x60  }
0xae: {  	[dreg:$0x2] =	wrdreg s24  }
0xaf: {  	[dreg:$0x3] =	wrdreg $0x9  }
0xb0: {  	_ =	task.clear_ibuf [dreg:s6], $0x4FFFF;
	_ =	strace $0x90000046  }
0xb1: {  	s29 =	simm.s32 $0x9;
	_ =	strace $0x80000048  }
0xb2: {  	_ =	swait.ge [sflag:s29], $0x1  }
0xb3: {  	[sflag:s29] =	ssyncadd.s32 $0xFFFFFFFF  }
0xb4: {  	_ =	strace $0x90000048  }
0xb5: {  	_ =	sfence  }
0xb6: {  	s30 =	sld [smem:$0x0];
	_ =	sdelay $0x2  }
0xb7: {  	s31 =	sshll.u32 s1, $0xD;
	s1 =	sshrl.u32 s1, $0x2  }
0xb8: {  	s3 =	sand.u32 $0x4000, s31;
	s1 =	sadd.s32 s1, s30  }
0xb9: {  	s0 =	sor.u32 s3, s0;
	s1 =	sshll.u32 s1, $0x11  }
0xba: {  	s0 =	sor.u32 s1, s0  }
0xbb: {  	s0 =	sadd.s32 $0x8F2B, s0  }
0xbc: {  	[sflag:s0] =	ssyncadd.remote.s32 $0x1  }
0xbd: {  	_ =	sfence.sel $0xFFFF  }
0xbe: {  	[dreg:$0x0] =	wrdreg $0xFFFFFFFF;
	(pc) =	sbr.abs _section_cstart, $3  }
0xbf: {  	[dreg:$0x1] =	wrdreg $0xFFFFFFFF  }
0xc0: {  	_ =	task.clear_ibuf [dreg:s6], $0x2FFFF;
	_ =	strace $0x9FFFFFFF  }
0xc1: {  	(tm) =	ssettm $0x7FFFFFFF  }
tec
execute0_lowered:
.L_overlay_start_1:
0x0: {  	(tag) =	ssettag $0x1  }
0x1: {  	s0 =	srdreg.scid  }
0x2: {  	s9 =	stileid.u32;
	s1 =	rddreg [dreg:$0x0];
	s2 =	simm.s32 $0x0  }
0x3: {  	s13 =	simm.s32 $0x80;
	s14 =	simm.s32 $0x6400;
	s15 =	simm.s32 $0xA400  }
0x4: {  	s17 =	simm.s32 $0xE400;
	s19 =	simm.s32 $0x12400;
	s21 =	simm.s32 $0x16400  }
0x5: {  	s28 =	simm.s32 $0x6;
	s29 =	simm.s32 $0x7;
	s8 =	smul.u32 $0x190, s9  }
0x6: {  	s30 =	simm.s32 $0x8;
	s0 =	sand.u32 $0x1, s0;
	s11 =	smul.u32 $0xC8000, s9  }
0x7: {  	s3 =	sshll.u32 s9, $0x1;
	[smem:$0x7FF] =	sst s2;
	s24 =	smul.u32 $0xC8, s0  }
0x8: {  	s4 =	sor.u32 s0, s3;
	s6 =	ssub.s32 $0x2, s0;
	s0 =	smul.u32 $0x64000, s0  }
0x9: {  	s31 =	simm.s32 $0x9;
	_ =	strace $0x80000047;
	s5 =	smul.u32 $0xC80, s4  }
0xa: {  	s3 =	sadd.s32 $0x19800, s1;
	s7 =	smul.u32 $0x320000, s4;
	s4 =	sadd.s32 $0x1A0200, s1  }
0xb: {  	s22 =	sshrl.u32 s6, $0x1;
	s26 =	sadd.s32 s24, s8;
	s0 =	sadd.s32 s0, s11  }
0xc: {  	s24 =	simm.s32 $0x3;
	s5 =	sadd.s32 s5, s1;
	s1 =	ssub.s32 s6, s22  }
0xd: {  	s23 =	sshrl.u32 s7, $0x3;
	s12 =	sshll.u32 s26, $0xB;
	[dreg:$0x3] =	wrdreg s0  }
0xe: {  	s22 =	simm.s32 $0x1;
	s26 =	simm.s32 $0x5;
	s0 =	simm.s32 $0x0  }
0xf: {  	s5 =	sadd.s32 $0x800, s5;
	s10 =	sadd.s32 s4, s23;
	[dreg:$0x2] =	wrdreg s12  }
0x10: {  	s11 =	smax.u32 s1, $0x1;
	s12 =	simm.s32 $0xB;
	s23 =	simm.s32 $0x2  }
0x11: {  	s1 =	simm.s32 $0xA;
	[dreg:$0x4] =	wrdreg s5;
	s25 =	sadd.s32 $0x61800, s10  }
0x12: {  	s7 =	sadd.s32 $0x62000, s10;
	s8 =	sadd.s32 $0x62800, s10;
	s9 =	sadd.s32 $0x63000, s10  }
0x13: {  	s10 =	sadd.s32 $0x63800, s10;
	[dreg:$0x5] =	wrdreg s25;
	s25 =	simm.s32 $0x4  }
.LBB2_1:
0x14: {  	s5 =	rddreg [dreg:$0x4]  }
0x15: {  	[tilespmem:s2], [sflag:$0xB] =	stream.linear.gather [hbm4b:s5+s2], $0x6400, $0x38;
	[tilespmem:$0x1A400] =	vst v63  }
0x16: {  	_ =	swait.ge [sflag:s12], $0x6400  }
0x17: {  	[sflag:s12] =	ssyncset.done $0x0  }
0x18: {  	[sflag:s12] =	ssyncadd.s32 $0xFFFF9C00  }
0x19: {  	[tilespmem:s14], [sflag:$0x1] =	stream.indirect.gather [hbm4b:s3+s13], $0x80, s2, s13, $0xb8;
	[tilespmem:$0x1A400] =	vst v63  }
0x1a: {  	_ = 	snop  }
0x1b: {  	[tilespmem:s15], [sflag:$0x2] =	stream.indirect.gather [hbm4b:s3+s13], $0x80, s13, s13, $0xb8;
	[tilespmem:$0x1A400] =	vst v63  }
0x1c: {  	s16 =	simm.s32 $0x100  }
0x1d: {  	[tilespmem:s17], [sflag:$0x3] =	stream.indirect.gather [hbm4b:s3+s13], $0x80, s16, s13, $0xb8;
	[tilespmem:$0x1A400] =	vst v63  }
0x1e: {  	s18 =	simm.s32 $0x180  }
0x1f: {  	[tilespmem:s19], [sflag:$0x4] =	stream.indirect.gather [hbm4b:s3+s13], $0x80, s18, s13, $0xb8;
	[tilespmem:$0x1A400] =	vst v63  }
0x20: {  	s20 =	simm.s32 $0x200  }
0x21: {  	[tilespmem:s21], [sflag:$0x5] =	stream.indirect.gather [hbm4b:s3+s13], $0x80, s20, s13, $0xb8;
	[tilespmem:$0x1A400] =	vst v63  }
0x22: {  	_ =	swait.ge [sflag:s22], $0x4000  }
0x23: {  	s16 =	rddreg [dreg:$0x3];
	[sflag:s22] =	ssyncset.done $0x0  }
0x24: {  	[sflag:s22] =	ssyncadd.s32 $0xFFFFC000;
	s16 =	sadd.s32 s4, s16  }
0x25: {  	[hbm4b:s16+s2] =	stream.linear.scatter [tilespmem:s14], [sflag:$0x6], $0x4000, $0x38;
	[tilespmem:$0x1A400] =	vst v63  }
0x26: {  	_ =	swait.ge [sflag:s23], $0x4000  }
0x27: {  	s5 =	rddreg [dreg:$0x2]  }
0x28: {  	[sflag:s23] =	ssyncset.done $0x0;
	s16 =	sadd.s32 s4, s5  }
0x29: {  	[sflag:s23] =	ssyncadd.s32 $0xFFFFC000;
	s18 =	sadd.s32 $0x800, s16  }
0x2a: {  	[hbm4b:s18+s2] =	stream.linear.scatter [tilespmem:s15], [sflag:$0x7], $0x4000, $0x38;
	[tilespmem:$0x1A400] =	vst v63  }
0x2b: {  	_ =	swait.ge [sflag:s24], $0x4000  }
0x2c: {  	[sflag:s24] =	ssyncset.done $0x0  }
0x2d: {  	s6 =	sadd.s32 $0x1000, s16;
	[sflag:s24] =	ssyncadd.s32 $0xFFFFC000  }
0x2e: {  	[hbm4b:s6+s2] =	stream.linear.scatter [tilespmem:s17], [sflag:$0x8], $0x4000, $0x38;
	[tilespmem:$0x1A400] =	vst v63  }
0x2f: {  	_ =	swait.ge [sflag:s25], $0x4000  }
0x30: {  	[sflag:s25] =	ssyncset.done $0x0  }
0x31: {  	s20 =	sadd.s32 $0x1800, s16;
	[sflag:s25] =	ssyncadd.s32 $0xFFFFC000  }
0x32: {  	[hbm4b:s20+s2] =	stream.linear.scatter [tilespmem:s19], [sflag:$0x9], $0x4000, $0x38;
	[tilespmem:$0x1A400] =	vst v63  }
0x33: {  	_ =	swait.ge [sflag:s26], $0x4000  }
0x34: {  	[sflag:s26] =	ssyncset.done $0x0  }
0x35: {  	s16 =	sadd.s32 $0x2000, s16;
	[sflag:s26] =	ssyncadd.s32 $0xFFFFC000  }
0x36: {  	[hbm4b:s16+s2] =	stream.linear.scatter [tilespmem:s21], [sflag:$0xA], $0x4000, $0x38;
	[tilespmem:$0x1A400] =	vst v63  }
0x37: {  	_ =	swait.ge [sflag:s28], $0x4000  }
0x38: {  	[sflag:s28] =	ssyncset.done $0x0  }
0x39: {  	s5 =	simm.s32 $0x280;
	[sflag:s28] =	ssyncadd.s32 $0xFFFFC000  }
0x3a: {  	[tilespmem:s14], [sflag:$0x1] =	stream.indirect.gather [hbm4b:s3+s13], $0x80, s5, s13, $0xb8;
	[tilespmem:$0x1A400] =	vst v63  }
0x3b: {  	_ =	swait.ge [sflag:s29], $0x4000  }
0x3c: {  	[sflag:s29] =	ssyncset.done $0x0  }
0x3d: {  	s6 =	simm.s32 $0x300;
	[sflag:s29] =	ssyncadd.s32 $0xFFFFC000  }
0x3e: {  	[tilespmem:s15], [sflag:$0x2] =	stream.indirect.gather [hbm4b:s3+s13], $0x80, s6, s13, $0xb8;
	[tilespmem:$0x1A400] =	vst v63  }
0x3f: {  	_ =	swait.ge [sflag:s30], $0x4000  }
0x40: {  	[sflag:s30] =	ssyncset.done $0x0  }
0x41: {  	s18 =	simm.s32 $0x380;
	[sflag:s30] =	ssyncadd.s32 $0xFFFFC000  }
0x42: {  	[tilespmem:s17], [sflag:$0x3] =	stream.indirect.gather [hbm4b:s3+s13], $0x80, s18, s13, $0xb8;
	[tilespmem:$0x1A400] =	vst v63  }
0x43: {  	_ =	swait.ge [sflag:s31], $0x4000  }
0x44: {  	[sflag:s31] =	ssyncset.done $0x0  }
0x45: {  	s20 =	simm.s32 $0x400;
	[sflag:s31] =	ssyncadd.s32 $0xFFFFC000  }
0x46: {  	[tilespmem:s19], [sflag:$0x4] =	stream.indirect.gather [hbm4b:s3+s13], $0x80, s20, s13, $0xb8;
	[tilespmem:$0x1A400] =	vst v63  }
0x47: {  	_ =	swait.ge [sflag:s1], $0x4000  }
0x48: {  	s16 =	simm.s32 $0xA00;
	[sflag:s1] =	ssyncset.done $0x0  }
0x49: {  	s18 =	sadd.s32 $0x2800, s4;
	s20 =	simm.s32 $0x480;
	[sflag:s1] =	ssyncadd.s32 $0xFFFFC000  }
.LBB2_2:
0x4a: {  	[tilespmem:s21], [sflag:$0x5] =	stream.indirect.gather [hbm4b:s3+s13], $0x80, s20, s13, $0xb8;
	[tilespmem:$0x1A400] =	vst v63  }
0x4b: {  	_ =	swait.ge [sflag:s22], $0x4000  }
0x4c: {  	s5 =	rddreg [dreg:$0x3];
	[sflag:s22] =	ssyncset.done $0x0  }
0x4d: {  	[sflag:s22] =	ssyncadd.s32 $0xFFFFC000;
	s5 =	sadd.s32 s18, s5  }
0x4e: {  	[hbm4b:s5+s2] =	stream.linear.scatter [tilespmem:s14], [sflag:$0x6], $0x4000, $0x38;
	[tilespmem:$0x1A400] =	vst v63  }
0x4f: {  	_ =	swait.ge [sflag:s23], $0x4000  }
0x50: {  	s6 =	rddreg [dreg:$0x2]  }
0x51: {  	[sflag:s23] =	ssyncset.done $0x0;
	s5 =	sadd.s32 s18, s6  }
0x52: {  	[sflag:s23] =	ssyncadd.s32 $0xFFFFC000;
	s6 =	sadd.s32 $0x800, s5  }
0x53: {  	[hbm4b:s6+s2] =	stream.linear.scatter [tilespmem:s15], [sflag:$0x7], $0x4000, $0x38;
	[tilespmem:$0x1A400] =	vst v63  }
0x54: {  	_ =	swait.ge [sflag:s24], $0x4000  }
0x55: {  	[sflag:s24] =	ssyncset.done $0x0  }
0x56: {  	s6 =	sadd.s32 $0x1000, s5;
	[sflag:s24] =	ssyncadd.s32 $0xFFFFC000  }
0x57: {  	[hbm4b:s6+s2] =	stream.linear.scatter [tilespmem:s17], [sflag:$0x8], $0x4000, $0x38;
	[tilespmem:$0x1A400] =	vst v63  }
0x58: {  	_ =	swait.ge [sflag:s25], $0x4000  }
0x59: {  	[sflag:s25] =	ssyncset.done $0x0  }
0x5a: {  	s6 =	sadd.s32 $0x1800, s5;
	[sflag:s25] =	ssyncadd.s32 $0xFFFFC000  }
0x5b: {  	[hbm4b:s6+s2] =	stream.linear.scatter [tilespmem:s19], [sflag:$0x9], $0x4000, $0x38;
	[tilespmem:$0x1A400] =	vst v63  }
0x5c: {  	_ =	swait.ge [sflag:s26], $0x4000  }
0x5d: {  	[sflag:s26] =	ssyncset.done $0x0  }
0x5e: {  	s5 =	sadd.s32 $0x2000, s5;
	[sflag:s26] =	ssyncadd.s32 $0xFFFFC000  }
0x5f: {  	[hbm4b:s5+s2] =	stream.linear.scatter [tilespmem:s21], [sflag:$0xA], $0x4000, $0x38;
	[tilespmem:$0x1A400] =	vst v63  }
0x60: {  	s20 =	smov.u32 s16;
	_ =	swait.ge [sflag:s28], $0x4000  }
0x61: {  	s5 =	sshra.s32 s20, $0x2;
	[sflag:s28] =	ssyncset.done $0x0  }
0x62: {  	s20 =	sadd.s32 $0x280, s5;
	[sflag:s28] =	ssyncadd.s32 $0xFFFFC000  }
0x63: {  	[tilespmem:s14], [sflag:$0x1] =	stream.indirect.gather [hbm4b:s3+s13], $0x80, s20, s13, $0xb8;
	[tilespmem:$0x1A400] =	vst v63  }
0x64: {  	_ =	swait.ge [sflag:s29], $0x4000  }
0x65: {  	[sflag:s29] =	ssyncset.done $0x0  }
0x66: {  	s20 =	sadd.s32 $0x300, s5;
	[sflag:s29] =	ssyncadd.s32 $0xFFFFC000  }
0x67: {  	[tilespmem:s15], [sflag:$0x2] =	stream.indirect.gather [hbm4b:s3+s13], $0x80, s20, s13, $0xb8;
	[tilespmem:$0x1A400] =	vst v63  }
0x68: {  	_ =	swait.ge [sflag:s30], $0x4000  }
0x69: {  	[sflag:s30] =	ssyncset.done $0x0  }
0x6a: {  	s20 =	sadd.s32 $0x380, s5;
	[sflag:s30] =	ssyncadd.s32 $0xFFFFC000  }
0x6b: {  	[tilespmem:s17], [sflag:$0x3] =	stream.indirect.gather [hbm4b:s3+s13], $0x80, s20, s13, $0xb8;
	[tilespmem:$0x1A400] =	vst v63  }
0x6c: {  	_ =	swait.ge [sflag:s31], $0x4000  }
0x6d: {  	p0 =	sne.s32 s16, $0x17C00;
	[sflag:s31] =	ssyncset.done $0x0  }
.Ltmp0:
0x6e: {  	s20 =	sadd.s32 $0x400, s5;
	[sflag:s31] =	ssyncadd.s32 $0xFFFFC000;
	(pc) =	sbr.rel @p0 .LBB2_2-.Ltmp0, $4  }
0x6f: {  	[tilespmem:s19], [sflag:$0x4] =	stream.indirect.gather [hbm4b:s3+s13], $0x80, s20, s13, $0xb8;
	[tilespmem:$0x1A400] =	vst v63  }
0x70: {  	_ =	swait.ge [sflag:s1], $0x4000  }
0x71: {  	s16 =	sadd.s32 $0xA00, s16;
	[sflag:s1] =	ssyncset.done $0x0  }
0x72: {  	s18 =	sadd.s32 $0x2800, s18;
	s20 =	sadd.s32 $0x480, s5;
	[sflag:s1] =	ssyncadd.s32 $0xFFFFC000  }
0x73: {  	[tilespmem:s21], [sflag:$0x5] =	stream.indirect.gather [hbm4b:s3+s13], $0x80, s20, s13, $0xb8;
	[tilespmem:$0x1A400] =	vst v63  }
0x74: {  	_ =	swait.ge [sflag:s22], $0x4000  }
0x75: {  	[sflag:s22] =	ssyncset.done $0x0  }
0x76: {  	s5 =	rddreg [dreg:$0x5];
	[sflag:s22] =	ssyncadd.s32 $0xFFFFC000  }
0x77: {  	[hbm4b:s5+s2] =	stream.linear.scatter [tilespmem:s14], [sflag:$0x6], $0x4000, $0x38;
	[tilespmem:$0x1A400] =	vst v63  }
0x78: {  	_ =	swait.ge [sflag:s23], $0x4000  }
0x79: {  	[sflag:s23] =	ssyncset.done $0x0  }
0x7a: {  	[sflag:s23] =	ssyncadd.s32 $0xFFFFC000  }
0x7b: {  	[hbm4b:s7+s2] =	stream.linear.scatter [tilespmem:s15], [sflag:$0x7], $0x4000, $0x38;
	[tilespmem:$0x1A400] =	vst v63  }
0x7c: {  	_ =	swait.ge [sflag:s24], $0x4000  }
0x7d: {  	[sflag:s24] =	ssyncset.done $0x0  }
0x7e: {  	[sflag:s24] =	ssyncadd.s32 $0xFFFFC000  }
0x7f: {  	[hbm4b:s8+s2] =	stream.linear.scatter [tilespmem:s17], [sflag:$0x8], $0x4000, $0x38;
	[tilespmem:$0x1A400] =	vst v63  }
0x80: {  	_ =	swait.ge [sflag:s25], $0x4000  }
0x81: {  	[sflag:s25] =	ssyncset.done $0x0  }
0x82: {  	[sflag:s25] =	ssyncadd.s32 $0xFFFFC000  }
0x83: {  	[hbm4b:s9+s2] =	stream.linear.scatter [tilespmem:s19], [sflag:$0x9], $0x4000, $0x38;
	[tilespmem:$0x1A400] =	vst v63  }
0x84: {  	_ =	swait.ge [sflag:s26], $0x4000  }
0x85: {  	[sflag:s26] =	ssyncset.done $0x0  }
0x86: {  	[sflag:s26] =	ssyncadd.s32 $0xFFFFC000  }
0x87: {  	[hbm4b:s10+s2] =	stream.linear.scatter [tilespmem:s21], [sflag:$0xA], $0x4000, $0x38;
	[tilespmem:$0x1A400] =	vst v63  }
0x88: {  	_ =	swait.ge [sflag:s28], $0x4000  }
0x89: {  	[sflag:s28] =	ssyncset.done $0x0  }
0x8a: {  	[sflag:s28] =	ssyncadd.s32 $0xFFFFC000  }
0x8b: {  	_ =	swait.ge [sflag:s29], $0x4000  }
0x8c: {  	[sflag:s29] =	ssyncset.done $0x0  }
0x8d: {  	[sflag:s29] =	ssyncadd.s32 $0xFFFFC000  }
0x8e: {  	_ =	swait.ge [sflag:s30], $0x4000  }
0x8f: {  	[sflag:s30] =	ssyncset.done $0x0  }
0x90: {  	s0 =	sadd.s32 $0x1, s0;
	[sflag:s30] =	ssyncadd.s32 $0xFFFFC000  }
0x91: {  	p0 =	sne.s32 s0, s11;
	_ =	swait.ge [sflag:s31], $0x4000  }
.Ltmp1:
0x92: {  	[sflag:s31] =	ssyncset.done $0x0;
	(pc) =	sbr.rel @p0 .LBB2_1-.Ltmp1, $4  }
0x93: {  	[sflag:s31] =	ssyncadd.s32 $0xFFFFC000  }
0x94: {  	_ =	swait.ge [sflag:s1], $0x4000  }
0x95: {  	[sflag:s1] =	ssyncset.done $0x0  }
0x96: {  	[sflag:s1] =	ssyncadd.s32 $0xFFFFC000  }
0x97: {  	_ =	sfence.sel $0x180000  }
0x98: {  	[bflag:$0x0] =	sbarrier.arrive $0xFFFF  }
0x99: {  	_ =	strace $0x90000047  }
0x9a: {  	s0 =	stileid.u32;
	[bflag:$0x2] =	sbarrier.arrive $0xFFFF  }
0x9b: {  	p0 =	sne.s32 s0, $0x0;
	s0 =	rddreg [dreg:$0x1]  }
0x9c: {  	s0 =	sadd.s32 @!p0 $0x100000, s0  }
0x9d: {  	[sflag:s0] =	ssyncadd.tile.s32 @!p0 $0x1;
	_ =	shalt  }
.Lfunc_end2:
_tile_overlayer_lowered:
.L_overlay_start_2:
0x9e: {  	(tag) =	ssettag $0x2  }
0x9f: {  	s0 =	rddreg [dreg:$0x0];
	s2 =	stileid.u32  }
0xa0: {  	s1 =	rddreg [dreg:$0x1];
	p0 =	sne.s32 s2, $0x0  }
0xa1: {  	s3 =	rddreg [dreg:$0x2];
	[bflag:$0x3] =	sbarrier.arrive $0xFFFF;
	s2 =	simm.s32 @!p0 $0x1C0B  }
0xa2: {  	[timem:s3], [sflag:s2] =	dma.local @!p0 [hbm:s0], s1  }
0xa3: {  	s0 =	simm.s32 @!p0 $0xB  }
0xa4: {  	_ =	swait.ge @!p0 [sflag:s0], s1  }
0xa5: {  	s1 =	ssub.s32 @!p0 $0x0, s1;
	[sflag:s0] =	ssyncset.done @!p0 $0x0  }
0xa6: {  	[sflag:s0] =	ssyncadd.s32 @!p0 s1  }
0xa7: {  	[bflag:$0x3] =	sbarrier.arrive $0xFFFF  }
0xa8: {  	_ =	shalt  }

// kernel: sparse-core-data-format-call.cloned.1.call-start
scs
called_computation_lowered:
.L_overlay_start_0:
0x0: {  	s2 =	sld [smem:$0x3FD9]  }
0x1: {  	s3 =	sld [smem:$0x3FFE];
	_ =	sdelay $0x1  }
0x2: {  	s1 =	srdreg.scid  }
0x3: {  	s0 =	sand.u32 $0x1, s1  }
0x4: {  	s18 =	sshll.u32 s0, $0xA;
	s2 =	sadd.s32 s3, s2  }
0x5: {  	s2 =	sadd.s32 s2, s18  }
0x6: {  	[smem:$0x3FC6] =	sst s2  }
0x7: {  	_ = 	snop  }
0x8: {  	s2 =	sld [smem:$0x3FD0];
	(tm) =	ssettm $0x1  }
0x9: {  	s19 =	sld [smem:$0x3FFB];
	_ =	sdelay $0x3  }
0xa: {  	_ =	strace s19  }
0xb: {  	s3 =	sld [smem:$0x3FFC];
	_ =	sdelay $0x3  }
0xc: {  	_ =	strace s3  }
0xd: {  	s3 =	sld [smem:$0x3FFD];
	_ =	sdelay $0x3  }
0xe: {  	_ =	strace s3  }
0xf: {  	_ =	strace $0x8FFFFFFF  }
0x10: {  	s20 =	sld [smem:$0x3FDB];
	_ =	sdelay $0x1  }
0x11: {  	s4 =	simm.s32 $_scs_section_size  }
0x12: {  	s5 =	simm.s32 $_size__tile_overlayer_lowered;
	s6 =	simm.s32 $_tile_overlayer_lowered  }
0x13: {  	s23 =	simm.s32 $0x1BFF;
	s22 =	sshll.u32 s6, $0x1;
	s3 =	sadd.s32 s4, s20  }
0x14: {  	s7 =	simm.s32 $0x0;
	s21 =	sshll.u32 s5, $0x1;
	s5 =	sadd.s32 s22, s3  }
0x15: {  	[timem:s7], [sflag:s23] =	dma.local [hbm:s5], s21  }
0x16: {  	_ =	swait.ge [sflag:s23], s21  }
0x17: {  	s4 =	ssub.s32 $0x0, s21;
	[sflag:s23] =	ssyncset.done $0x0  }
0x18: {  	[sflag:s23] =	ssyncadd.s32 s4;
	_ =	sdelay $0x1  }
0x19: {  	s24 =	simm.s32 $0x1B8B  }
0x1a: {  	_ =	swait.ge [sflag:s24], $0x1  }
0x1b: {  	[sflag:s24] =	ssyncset.done $0x0  }
0x1c: {  	s26 =	simm.s32 $0x1B8E;
	s25 =	sld [smem:$0x3FFE];
	[sflag:s24] =	ssyncadd.s32 $0xFFFFFFFF  }
0x1d: {  	s27 =	simm.s32 $execute0_lowered;
	[smem:$0x3FD2] =	sst s26  }
0x1e: {  	s5 =	sshll.u32 s27, $0x1;
	_ =	strace $0x80000049;
	[dreg:$0x1] =	wrdreg $0xFFFFFFFF  }
0x1f: {  	s28 =	simm.s32 $_size_execute0_lowered;
	s3 =	sadd.s32 s3, s5;
	[dreg:$0x0] =	wrdreg $0x0  }
0x20: {  	s5 =	sshll.u32 s28, $0x1;
	[dreg:$0x2] =	wrdreg s3  }
0x21: {  	[dreg:$0x3] =	wrdreg s5  }
0x22: {  	[dreg:$0x4] =	wrdreg $0xC0  }
0x23: {  	_ =	task [dreg:s7], $0x5FFFF  }
0x24: {  	[dreg:$0x1] =	wrdreg $0xFFFFFFFF  }
0x25: {  	[dreg:$0x0] =	wrdreg $0x60  }
0x26: {  	[dreg:$0x2] =	wrdreg s25  }
0x27: {  	[dreg:$0x3] =	wrdreg s2  }
0x28: {  	[dreg:$0x4] =	wrdreg $0x9  }
0x29: {  	_ =	task.clear_ibuf [dreg:s7], $0x5FFFF;
	_ =	strace $0x90000049  }
0x2a: {  	s29 =	simm.s32 $0x9;
	_ =	strace $0x8000004B  }
0x2b: {  	_ =	swait.ge [sflag:s29], $0x1  }
0x2c: {  	[sflag:s29] =	ssyncadd.s32 $0xFFFFFFFF  }
0x2d: {  	_ =	strace $0x9000004B  }
0x2e: {  	_ =	sfence  }
0x2f: {  	s30 =	sld [smem:$0x0];
	_ =	sdelay $0x2  }
0x30: {  	s31 =	sshll.u32 s1, $0xD;
	s1 =	sshrl.u32 s1, $0x2  }
0x31: {  	s3 =	sand.u32 $0x4000, s31;
	s1 =	sadd.s32 s1, s30  }
0x32: {  	s0 =	sor.u32 s3, s0;
	s1 =	sshll.u32 s1, $0x11  }
0x33: {  	s0 =	sor.u32 s1, s0  }
0x34: {  	s0 =	sadd.s32 $0x8F2B, s0  }
0x35: {  	[sflag:s0] =	ssyncadd.remote.s32 $0x1  }
0x36: {  	_ =	sfence.sel $0xFFFF  }
0x37: {  	[dreg:$0x0] =	wrdreg $0xFFFFFFFF;
	(pc) =	sbr.abs _section_cstart, $3  }
0x38: {  	[dreg:$0x1] =	wrdreg $0xFFFFFFFF  }
0x39: {  	_ =	task.clear_ibuf [dreg:s7], $0x2FFFF;
	_ =	strace $0x9FFFFFFF  }
0x3a: {  	(tm) =	ssettm $0x7FFFFFFF  }
0x3b: {  	_ =	shalt  }
tec
execute0_lowered:
.L_overlay_start_1:
0x0: {  	(tag) =	ssettag $0x1  }
0x1: {  	s0 =	srdreg.scid  }
0x2: {  	s1 =	sshll.u32 s0, $0x4  }
0x3: {  	s0 =	stileid.u32;
	s1 =	sand.u32 $0x10, s1  }
0x4: {  	s1 =	sor.u32 s0, s1  }
0x5: {  	s6 =	rddreg [dreg:$0x0];
	s4 =	simm.s32 $0x1;
	s2 =	sshll.u32 s1, $0x7  }
0x6: {  	s7 =	simm.s32 $0x2;
	s12 =	simm.s32 $0x0;
	s1 =	ssub.s32 $0x1000, s2  }
0x7: {  	s8 =	simm.s32 $0x8000;
	s13 =	simm.s32 $0x0;
	s3 =	sand.u32 $0xF80, s1  }
0x8: {  	s9 =	simm.s32 $0x0;
	s5 =	sshrl.u32 s1, $0xC;
	p0 =	sne.s32 s3, $0x0  }
.Ltmp0:
0x9: {  	s1 =	rddreg [dreg:$0x2];
	s4 =	simm.s32 @!p0 $0x0;
	(pc) =	sbr.rel .LBB1_1-.Ltmp0, $4  }
0xa: {  	s11 =	simm.s32 $0x0;
	s3 =	rddreg [dreg:$0x1];
	s5 =	sadd.s32 s4, s5  }
0xb: {  	_ =	strace $0x8000004A;
	s4 =	simm.s32 $0x1;
	s5 =	smul.u32 $0xC8, s5  }
0xc: {  	s6 =	sadd.s32 $0x1A0200, s6;
	s10 =	smov.u32 s2;
	[sflag:s4] =	ssyncpa.u1 $0x0  }
0xd: {  	p0 =	por $0x0, $0x0;
	[sflag:s7] =	ssyncpa.u1 $0x0;
	s7 =	sor.u32 $0x1, s5  }
.LBB1_4:
0xe: {  	s16 =	sshll.u32 s13, $0x3;
	s17 =	sand.u32 $0x78, s13  }
0xf: {  	s30 =	sand.u32 $0x7E00, s13;
	s12 =	sshll.u32 s12, $0xF;
	s16 =	sand.u32 $0xC00, s16  }
0x10: {  	[tilespmem:s15+$0x810 ss:$0x81] =	vst.msk $0xffff, v2;
	s31 =	sand.u32 $0x7, s13;
	s16 =	sor.u32 s17, s16;
	s17 =	sadd.s32 s3, s30  }
0x11: {  	[tilespmem:s15+$0x1020 ss:$0x81] =	vst.msk $0xffff, v0;
	s13 =	sshll.u32 s31, $0x12;
	s12 =	sadd.s32 s12, s17;
	s16 =	sshrl.u32 s16, $0x3  }
0x12: {  	[tilespmem:s15+$0x0 ss:$0x81] =	vst.msk $0xffff, v1;
	s13 =	sor.u32 $0x400, s13;
	s12 =	sadd.s32 s16, s12  }
0x13: {  	[hbm4b:s12+s13] =	stream.strided.scatter [tilespmem:s14], [sflag:$0x2], $0x2000, s8, s13, $0x20;
	[tilespmem:$0x8080] =	vst v63  }
.LBB1_5:
0x14: {  	s14 =	sadd.s32 $0x1, s9  }
0x15: {  	s12 =	sadd.s32 $0x1000, s10;
	s16 =	smov.u32 s10;
	p2 =	sgt.s32 s14, $0xC7  }
0x16: {  	s16 =	smov.u32 @p2 s12  }
0x17: {  	s14 =	simm.s32 @p2 $0x0;
	p2 =	sgt.s32 s16, $0xFFF  }
0x18: {  	s16 =	smov.u32 @p2 s2;
	p2 =	sne.s32 s11, s7  }
.Ltmp1:
0x19: {  	p1 =	slt.u32 s11, $0x2;
	(pc) =	sbr.rel @!p2 .LBB1_6-.Ltmp1, $4  }
0x1a: {  	s15 =	simm.s32 @!p1 $0x2  }
0x1b: {  	s13 =	smov.u32 s10;
	p0 =	por !p0, !p0;
	_ =	swait.ge @!p1 [sflag:s15], $0x2000  }
0x1c: {  	s12 =	smov.u32 s9;
	[sflag:s15] =	ssyncset.done @!p1 $0x0;
	s9 =	smov.u32 s14  }
0x1d: {  	s11 =	sadd.s32 $0x1, s11;
	[sflag:s15] =	ssyncadd.s32 @!p1 $0xFFFFE000;
	s10 =	smov.u32 s16  }
.LBB1_1:
0x1e: {  	p1 =	sge.u32 s11, s5  }
0x1f: {  	s14 =	sand.u32 @!p1 $0x1FFFFFF, s9  }
0x20: {  	s15 =	smulhi.u32 @!p1 $0x147AE15, s14;
	_ =	sdelay $0x1  }
0x21: {  	s15 =	smul.u32 @!p1 $0xC8, s15  }
0x22: {  	s16 =	sxor.u32 @!p1 $0xFFFFFFFF, s11;
	s17 =	smul.u32 @!p1 $0xC80, s10  }
0x23: {  	s31 =	sadd.s32 $0xFFFFFFFF, s11;
	s16 =	sshll.u32 @!p1 s16, $0xD;
	s14 =	ssub.s32 @!p1 s14, s15  }
0x24: {  	s15 =	sand.u32 @!p1 $0x2000, s16;
	s16 =	sadd.s32 @!p1 s6, s17;
	s14 =	sshll.u32 @!p1 s14, $0x4  }
0x25: {  	s17 =	simm.s32 @!p1 $0x6400;
	s14 =	sadd.s32 @!p1 s14, s16;
	s16 =	simm.s32 @!p1 $0x40  }
0x26: {  	[tilespmem:s15], [sflag:$0x1] =	stream.strided.gather @!p1 [hbm4b:s14+s16], $0x2000, s17, s16, $0x38;
	[tilespmem:$0x8080] =	vst v63  }
0x27: {  	p1 =	sge.u32 s31, s5  }
.Ltmp2:
0x28: {  	_ = 	snop;
	(pc) =	sbr.rel @p1 .LBB1_5-.Ltmp2, $1  }
0x29: {  	_ =	sdelay $0x3  }
0x2a: {  	s14 =	simm.s32 $0x1  }
0x2b: {  	_ =	swait.ge [sflag:s4], $0x2000;
	s14 =	simm.s32 @!p0 $0x0  }
0x2c: {  	[sflag:s4] =	ssyncset.done $0x0;
	s15 =	sshll.u32 s14, $0xD  }
0x2d: {  	[sflag:s4] =	ssyncadd.s32 $0xFFFFE000;
	s18 =	sor.u32 $0x20, s15  }
0x2e: {  	s14 =	smul.u32 $0x8100, s14;
	v3 =	vld [tilespmem:s18+$0x10]  }
0x2f: {  	s30 =	sand.u32 $0x1, s11;
	v2 =	vld [tilespmem:s18+$0xFFFFFFF0]  }
0x30: {  	s15 =	smul.u32 $0x8100, s30;
	s14 =	sshrl.u32 s14, $0x2;
	v0 =	vld [tilespmem:s18+$0x0]  }
0x31: {  	v1 =	vld [tilespmem:s18+$0xFFFFFFE0];
	s16 =	sor.u32 $0x4000, s14  }
0x32: {  	s31 =	sshrl.u32 s15, $0x2;
	s15 =	sadd.s32 $0x0, s16  }
0x33: {  	s17 =	simm.s32 $0x4;
	s18 =	sadd.s32 $0x40, s18;
	s14 =	sor.u32 $0x4000, s31;
	[tilespmem:s15+$0x1830 ss:$0x81] =	vst.msk $0xffff, v3  }
.LBB1_3:
0x34: {  	v3 =	vld [tilespmem:s18+$0x10];
	p1 =	sne.s32 s17, $0x1FC;
	[tilespmem:s15+$0x810 ss:$0x81] =	vst.msk $0xffff, v2;
	s19 =	smov.u32 s17;
	s17 =	sadd.s32 $0x4, s17  }
.Ltmp3:
0x35: {  	v2 =	vld [tilespmem:s18+$0xFFFFFFF0];
	[tilespmem:s15+$0x1020 ss:$0x81] =	vst.msk $0xffff, v0;
	(pc) =	sbr.rel @p1 .LBB1_3-.Ltmp3, $4  }
0x36: {  	v0 =	vld [tilespmem:s18+$0x0];
	[tilespmem:s15+$0x0 ss:$0x81] =	vst.msk $0xffff, v1  }
0x37: {  	s15 =	sshra.s32 s19, $0x2;
	v1 =	vld [tilespmem:s18+$0xFFFFFFE0]  }
0x38: {  	s15 =	sadd.s32 s15, s16  }
0x39: {  	s18 =	sadd.s32 $0x40, s18;
	[tilespmem:s15+$0x1830 ss:$0x81] =	vst.msk $0xffff, v3  }
.Ltmp4:
0x3a: {  	_ = 	snop;
	(pc) =	sbr.rel .LBB1_4-.Ltmp4, $1  }
0x3b: {  	_ =	sdelay $0x3  }
.LBB1_6:
0x3c: {  	_ =	sfence.sel $0x180000  }
0x3d: {  	s2 =	simm.s32 $0x1;
	[bflag:$0x0] =	sbarrier.arrive $0xFFFF  }
0x3e: {  	s31 =	simm.s32 $0x2;
	[sflag:s2] =	ssyncpa.u1 $0x1  }
0x3f: {  	[sflag:s31] =	ssyncpa.u1 $0x1  }
0x40: {  	p0 =	sne.s32 s0, $0x0;
	_ =	strace $0x9000004A  }
0x41: {  	s0 =	sadd.s32 @!p0 $0x100000, s1;
	[bflag:$0x2] =	sbarrier.arrive $0xFFFF  }
0x42: {  	[sflag:s0] =	ssyncadd.tile.s32 @!p0 $0x1;
	_ =	shalt  }
.Lfunc_end1:
_tile_overlayer_lowered:
.L_overlay_start_2:
0x43: {  	(tag) =	ssettag $0x2  }
0x44: {  	s0 =	rddreg [dreg:$0x0];
	s2 =	stileid.u32  }
0x45: {  	s1 =	rddreg [dreg:$0x1];
	p0 =	sne.s32 s2, $0x0  }
0x46: {  	s3 =	rddreg [dreg:$0x2];
	[bflag:$0x3] =	sbarrier.arrive $0xFFFF;
	s2 =	simm.s32 @!p0 $0x1C01  }
0x47: {  	[timem:s3], [sflag:s2] =	dma.local @!p0 [hbm:s0], s1  }
0x48: {  	s0 =	simm.s32 @!p0 $0x1  }
0x49: {  	_ =	swait.ge @!p0 [sflag:s0], s1  }
0x4a: {  	s1 =	ssub.s32 @!p0 $0x0, s1;
	[sflag:s0] =	ssyncset.done @!p0 $0x0  }
0x4b: {  	[sflag:s0] =	ssyncadd.s32 @!p0 s1  }
0x4c: {  	[bflag:$0x3] =	sbarrier.arrive $0xFFFF  }
0x4d: {  	_ =	shalt  }

</sc_bundles>
